<compile_context>
chip_gen: v7x
topology: tpu7x:2x2x1
jax: 0.10.2.dev20260603
libtpu: 0.0.44.dev20260713+nightly
codegen_flags: <defaults>
</compile_context>

<pallas_src>
import jax
import jax.numpy as jnp
from jax import lax
from jax.experimental import pallas as pl
from jax.experimental.pallas import tpu as pltpu
from jax.experimental.pallas import tpu_sc as plsc

S = 512
B_IN = 128
H = 16
NPB = 9
HEAD_NB = 12
PROJ_NB = 12
WB = 5
AGG_NB = 12
NW = 32
RPW = S // NW


def _body(aq_h, ak_h, ar_h, xp_h, pcw_h, pcs_h, ac_h, hm_h, proj_h, agg_h,
          out_h,
          aq_v, ak_v, ar_v, xp_v, pcw_v, pcs_v, ac_v, hm_v,
          lane_v, idx_v, rows_v, aggin_v, orow_v, sem):
    pltpu.sync_copy(aq_h, aq_v)
    pltpu.sync_copy(ak_h, ak_v)
    pltpu.sync_copy(ar_h, ar_v)
    pltpu.sync_copy(xp_h, xp_v)
    pltpu.sync_copy(pcw_h, pcw_v)
    pltpu.sync_copy(pcs_h, pcs_v)
    pltpu.sync_copy(ac_h, ac_v)
    pltpu.sync_copy(hm_h, hm_v)

    wid = lax.axis_index("s") * 2 + lax.axis_index("c")
    iot = lax.iota(jnp.int32, 16)
    hoff = iot * 4096

    def row_fn(i, _):
        q = wid + NW * i
        base = hoff + aq_v[pl.ds(pl.multiple_of(q * 16, 8), 16)]

        def kbody(k, c):
            mv, js = c
            idx = (base + ak_v[pl.ds(pl.multiple_of(k * 16, 8), 16)]
                   + ar_v[pl.ds(pl.multiple_of((q - k) * 16, 8), 16)])
            s = jnp.sum(plsc.load_gather(hm_v, [idx]))
            upd = s > mv
            return (jnp.where(upd, s, mv), jnp.where(upd, k, js))

        mv, js = lax.fori_loop(0, q + 1, kbody,
                               (jnp.float32(-1.0), jnp.int32(0)))

        t = mv.astype(jnp.int32)
        r = mv - t.astype(jnp.float32)
        up = (r > 0.5) | ((r == 0.5) & ((t & 1) == 1))
        vc = jnp.clip(t + up.astype(jnp.int32), 0, H)

        def pblk(b, _c):
            b0 = b * 16
            acc = jnp.zeros((16,), jnp.int32)
            for tp in range(PROJ_NB):
                off = pl.ds(pl.multiple_of(tp * 128 + b0, 8), 16)
                wv = plsc.load_gather(xp_v, [js * 4 + pcw_v[off]])
                acc = acc + (((wv >> pcs_v[off]) & 1) << (PROJ_NB - 1 - tp))
            bo = pl.ds(pl.multiple_of(b0, 8), 16)
            idx_v[bo] = (b0 + iot) * 32 + (acc >> 7)
            lane_v[bo] = acc & 127
            return 0

        lax.fori_loop(0, 8, pblk, 0)
        pltpu.async_copy(proj_h.at[idx_v], rows_v, sem).wait()

        mvpos = mv > 0.0

        def vblk(b, _c):
            b0 = b * 16
            bo = pl.ds(pl.multiple_of(b0, 8), 16)
            vals = plsc.load_gather(rows_v, [b0 + iot, lane_v[bo]])
            aggin_v[bo] = jnp.where((vals > 0.5) & mvpos, 1, 0)
            return 0

        lax.fori_loop(0, 8, vblk, 0)
        sh = jnp.maximum(4 - iot, 0)
        aggin_v[pl.ds(128, 16)] = jnp.where(iot < WB, (vc >> sh) & 1, 0)

        def ablk(b, _c):
            b0 = b * 16
            acc = jnp.zeros((16,), jnp.int32)
            for tp in range(AGG_NB):
                off = pl.ds(pl.multiple_of(tp * 128 + b0, 8), 16)
                acc = acc + (plsc.load_gather(aggin_v, [ac_v[off]])
                             << (AGG_NB - 1 - tp))
            bo = pl.ds(pl.multiple_of(b0, 8), 16)
            idx_v[bo] = (b0 + iot) * 32 + (acc >> 7)
            lane_v[bo] = acc & 127
            return 0

        lax.fori_loop(0, 8, ablk, 0)
        pltpu.async_copy(agg_h.at[idx_v], rows_v, sem).wait()

        def oblk(b, _c):
            b0 = b * 16
            bo = pl.ds(pl.multiple_of(b0, 8), 16)
            orow_v[bo] = plsc.load_gather(rows_v, [b0 + iot, lane_v[bo]])
            return 0

        lax.fori_loop(0, 8, oblk, 0)
        pltpu.sync_copy(orow_v, out_h.at[q])
        return 0

    lax.fori_loop(0, RPW, row_fn, 0)


def kernel(x, head_conn, head_mem, proj_conn, proj_mem, agg_conn, agg_mem):
    pw = (2 ** jnp.arange(HEAD_NB - 1, -1, -1)).astype(jnp.int32)
    mq = (head_conn < B_IN).astype(jnp.int32)
    mk = ((head_conn >= B_IN) & (head_conn < 2 * B_IN)).astype(jnp.int32)
    mr = (head_conn >= 2 * B_IN).astype(jnp.int32)
    iq = jnp.clip(head_conn, 0, B_IN - 1)
    ik = jnp.clip(head_conn - B_IN, 0, B_IN - 1)
    ir = jnp.clip(head_conn - 2 * B_IN, 0, NPB - 1)
    addr_q = jnp.sum(x[:, iq] * (pw * mq)[None], axis=-1).astype(jnp.int32)
    addr_k = jnp.sum(x[:, ik] * (pw * mk)[None], axis=-1).astype(jnp.int32)
    d = jnp.arange(S)
    relb = ((d[:, None] >> jnp.arange(NPB - 1, -1, -1)[None]) & 1).astype(jnp.int32)
    addr_r = jnp.sum(relb[:, ir] * (pw * mr)[None], axis=-1).astype(jnp.int32)

    xp = jnp.sum(x.reshape(S, 4, 32)
                 * (jnp.int32(1) << jnp.arange(32, dtype=jnp.int32)),
                 axis=-1, dtype=jnp.int32).reshape(-1)
    pcw = (proj_conn >> 5).T.reshape(-1).astype(jnp.int32)
    pcs = (proj_conn & 31).T.reshape(-1).astype(jnp.int32)
    ac = agg_conn.T.reshape(-1).astype(jnp.int32)
    hm = head_mem.reshape(-1)
    proj2 = proj_mem.reshape(-1).reshape(B_IN * 32, 128)
    agg2 = agg_mem.reshape(-1).reshape(B_IN * 32, 128)

    mesh = plsc.VectorSubcoreMesh(core_axis_name="c", subcore_axis_name="s")
    f = pl.kernel(
        _body,
        out_type=jax.ShapeDtypeStruct((S, B_IN), jnp.float32),
        mesh=mesh,
        compiler_params=pltpu.CompilerParams(needs_layout_passes=False),
        scratch_types=[
            pltpu.VMEM((S * H,), jnp.int32),
            pltpu.VMEM((S * H,), jnp.int32),
            pltpu.VMEM((S * H,), jnp.int32),
            pltpu.VMEM((S * 4,), jnp.int32),
            pltpu.VMEM((PROJ_NB * B_IN,), jnp.int32),
            pltpu.VMEM((PROJ_NB * B_IN,), jnp.int32),
            pltpu.VMEM((AGG_NB * B_IN,), jnp.int32),
            pltpu.VMEM((H * 4096,), jnp.float32),
            pltpu.VMEM((B_IN,), jnp.int32),
            pltpu.VMEM((B_IN,), jnp.int32),
            pltpu.VMEM((B_IN, 128), jnp.float32),
            pltpu.VMEM((B_IN + 16,), jnp.int32),
            pltpu.VMEM((B_IN,), jnp.float32),
            pltpu.SemaphoreType.DMA,
        ],
    )
    return f(addr_q.reshape(-1), addr_k.reshape(-1), addr_r.reshape(-1),
             xp, pcw, pcs, ac, hm, proj2, agg2)

# --- scband reference (transcript-rebuilt; emitter-appended) ---
"""Pipeline reference for scband-soft-ramattention-85950885527684 (READ-ONLY COPY).

The authoritative reference and input builder live on the scoring server;
editing this copy changes nothing except your own understanding.
"""

import jax, jax.numpy as jnp
import numpy as np

S = 512          # sequence length (= max_seq_len)
B_IN = 128       # input_bits per token
H = 16           # num voting heads
NPB = 9          # relative-position bits: ceil(log2(max_seq_len)) for max_distance=511
SIM_BITS = 2 * B_IN + NPB   # similarity_input_bits = 265
HEAD_NB = 12     # n_bits_per_neuron = min(265, 12)
PROJ_NB = 12     # value projection RAM address bits = min(input_bits, 12)
WB = 5           # weight_bits = (num_heads + 1).bit_length() = 17.bit_length()
AGG_NB = 12      # aggregator RAM address bits = min(input_bits + WB, 12)


def setup_inputs(seed: int = 0) -> dict:
    key = jax.random.key(seed)
    ks = jax.random.split(key, 7)
    x = jax.random.randint(ks[0], (S, B_IN), 0, 2, dtype=jnp.int32)
    # voting heads: each head is a 1-neuron RAM with HEAD_NB random input taps
    head_conn = jax.random.randint(ks[1], (H, HEAD_NB), 0, SIM_BITS, dtype=jnp.int32)
    head_mem = jax.random.uniform(ks[2], (H, 2 ** HEAD_NB), dtype=jnp.float32)
    # generalizing value projection: per-output-bit RAM
    proj_conn = jax.random.randint(ks[3], (B_IN, PROJ_NB), 0, B_IN, dtype=jnp.int32)
    proj_mem = jax.random.uniform(ks[4], (B_IN, 2 ** PROJ_NB), dtype=jnp.float32)
    # weight aggregator RAM over (value_bits ++ vote_count_bits)
    agg_conn = jax.random.randint(ks[5], (B_IN, AGG_NB), 0, B_IN + WB, dtype=jnp.int32)
    agg_mem = jax.random.uniform(ks[6], (B_IN, 2 ** AGG_NB), dtype=jnp.float32)
    return {"x": x, "head_conn": head_conn, "head_mem": head_mem,
            "proj_conn": proj_conn, "proj_mem": proj_mem,
            "agg_conn": agg_conn, "agg_mem": agg_mem}


def reference(x, head_conn, head_mem, proj_conn, proj_mem, agg_conn, agg_mem):
    pw = (2 ** jnp.arange(HEAD_NB - 1, -1, -1)).astype(jnp.int32)
    # split each head's taps by which region of [query_bits | key_bits | rel_pos_bits] they hit
    mq = (head_conn < B_IN).astype(jnp.int32)
    mk = ((head_conn >= B_IN) & (head_conn < 2 * B_IN)).astype(jnp.int32)
    mr = (head_conn >= 2 * B_IN).astype(jnp.int32)
    iq = jnp.clip(head_conn, 0, B_IN - 1)
    ik = jnp.clip(head_conn - B_IN, 0, B_IN - 1)
    ir = jnp.clip(head_conn - 2 * B_IN, 0, NPB - 1)
    # additive address contributions (query-dependent, key-dependent, distance-dependent)
    bits_q = x[:, iq]                                            # [S, H, NB]
    bits_k = x[:, ik]                                            # [S, H, NB]
    addr_q = jnp.sum(bits_q * (pw * mq)[None], axis=-1)          # [S, H]
    addr_k = jnp.sum(bits_k * (pw * mk)[None], axis=-1)          # [S, H]
    d = jnp.arange(S)
    relb = ((d[:, None] >> jnp.arange(NPB - 1, -1, -1)[None]) & 1).astype(jnp.int32)  # [S, NPB]
    bits_r = relb[:, ir]                                         # [S, H, NB]
    addr_r = jnp.sum(bits_r * (pw * mr)[None], axis=-1)          # [S, H]
    qi = jnp.arange(S)[:, None]
    ki = jnp.arange(S)[None, :]
    dist = jnp.abs(qi - ki)                                      # [S, S]
    addr = addr_q[:, None, :] + addr_k[None, :, :] + addr_r[dist]  # [S, S, H]
    head_out = head_mem[jnp.arange(H)[None, None, :], addr]        # [S, S, H] RAM lookups
    votes = jnp.sum(head_out, axis=-1)                             # [S, S] soft vote counts
    votes = jnp.where(ki <= qi, votes, 0.0)                        # causal: future keys get 0 votes
    # value projection RAM per key token
    pwv = (2 ** jnp.arange(PROJ_NB - 1, -1, -1)).astype(jnp.int32)
    addr_v = jnp.sum(x[:, proj_conn] * pwv[None, None], axis=-1)   # [S, B_IN]
    vals = proj_mem[jnp.arange(B_IN)[None, :], addr_v]             # [S, B_IN]
    # TOP_1 aggregation: winner-take-all on vote counts
    jstar = jnp.argmax(votes, axis=1)                              # [S]
    maxv = jnp.max(votes, axis=1)                                  # [S]
    attended = jnp.where(maxv[:, None] > 0, vals[jstar], 0.0)      # [S, B_IN]
    # encode vote count as WB bits, feed (value_bits ++ weight_bits) through aggregator RAM
    vc = jnp.clip(jnp.round(maxv), 0, H).astype(jnp.int32)
    wbits = ((vc[:, None] >> jnp.arange(WB - 1, -1, -1)[None]) & 1).astype(jnp.int32)  # [S, WB]
    agg_in = jnp.concatenate([(attended > 0.5).astype(jnp.int32), wbits], axis=-1)     # [S, B_IN+WB]
    pwa = (2 ** jnp.arange(AGG_NB - 1, -1, -1)).astype(jnp.int32)
    addr_a = jnp.sum(agg_in[:, agg_conn] * pwa[None, None], axis=-1)  # [S, B_IN]
    out = agg_mem[jnp.arange(B_IN)[None, :], addr_a]                  # [S, B_IN]
    return out

if __name__ == "__main__":
    import jax
    _d = setup_inputs()
    print(jax.jit(kernel)(*tuple(_d.values())))

</pallas_src>

<mosaic_0001>
#map = affine_map<(d0, d1) -> (0)>
#map1 = affine_map<(d0, d1) -> (0, 0)>
module attributes {stable_mosaic.version = 14 : i64} {
  func.func @_body(%arg0: i32, %arg1: i32, %arg2: memref<8192xi32, #tpu.memory_space<hbm>>, %arg3: memref<8192xi32, #tpu.memory_space<hbm>>, %arg4: memref<8192xi32, #tpu.memory_space<hbm>>, %arg5: memref<2048xi32, #tpu.memory_space<hbm>>, %arg6: memref<1536xi32, #tpu.memory_space<hbm>>, %arg7: memref<1536xi32, #tpu.memory_space<hbm>>, %arg8: memref<1536xi32, #tpu.memory_space<hbm>>, %arg9: memref<65536xf32, #tpu.memory_space<hbm>>, %arg10: memref<4096x128xf32, #tpu.memory_space<hbm>>, %arg11: memref<4096x128xf32, #tpu.memory_space<hbm>>, %arg12: memref<512x128xf32, #tpu.memory_space<hbm>>, %arg13: memref<8192xi32, #tpu.memory_space<vmem>>, %arg14: memref<8192xi32, #tpu.memory_space<vmem>>, %arg15: memref<8192xi32, #tpu.memory_space<vmem>>, %arg16: memref<2048xi32, #tpu.memory_space<vmem>>, %arg17: memref<1536xi32, #tpu.memory_space<vmem>>, %arg18: memref<1536xi32, #tpu.memory_space<vmem>>, %arg19: memref<1536xi32, #tpu.memory_space<vmem>>, %arg20: memref<65536xf32, #tpu.memory_space<vmem>>, %arg21: memref<128xi32, #tpu.memory_space<vmem>>, %arg22: memref<128xi32, #tpu.memory_space<vmem>>, %arg23: memref<128x128xf32, #tpu.memory_space<vmem>>, %arg24: memref<144xi32, #tpu.memory_space<vmem>>, %arg25: memref<128xf32, #tpu.memory_space<vmem>>, %arg26: memref<!tpu.dma_semaphore, #tpu.memory_space<semaphore_mem>>) attributes {dimension_semantics = [#tpu.dimension_semantics<core_parallel>, #tpu.dimension_semantics<subcore_parallel>], iteration_bounds = array<i64: 2, 16>, scalar_prefetch = 0 : i64, scratch_operands = 14 : i64, tpu.core_type = #tpu.core_type<sc_vector_subcore>, window_params = [{transform_indices = #map}, {transform_indices = #map}, {transform_indices = #map}, {transform_indices = #map}, {transform_indices = #map}, {transform_indices = #map}, {transform_indices = #map}, {transform_indices = #map}, {transform_indices = #map1}, {transform_indices = #map1}, {transform_indices = #map1}]} {
    "tpu.region"() ({
      %run_scoped3A = tpu.sem_alloc : memref<!tpu.dma_semaphore, #tpu.memory_space<semaphore_mem>>
      tpu.enqueue_dma source(%arg2 : memref<8192xi32, #tpu.memory_space<hbm>>) target(%arg13 : memref<8192xi32, #tpu.memory_space<vmem>>) target_semaphore(%run_scoped3A : memref<!tpu.dma_semaphore, #tpu.memory_space<semaphore_mem>>)
      tpu.wait_dma2 semaphore(%run_scoped3A : memref<!tpu.dma_semaphore, #tpu.memory_space<semaphore_mem>>) src(%arg2 : memref<8192xi32, #tpu.memory_space<hbm>>) dst(%arg13 : memref<8192xi32, #tpu.memory_space<vmem>>)
      tpu.yield
    }) : () -> ()
    "tpu.region"() ({
      %run_scoped3A = tpu.sem_alloc : memref<!tpu.dma_semaphore, #tpu.memory_space<semaphore_mem>>
      tpu.enqueue_dma source(%arg3 : memref<8192xi32, #tpu.memory_space<hbm>>) target(%arg14 : memref<8192xi32, #tpu.memory_space<vmem>>) target_semaphore(%run_scoped3A : memref<!tpu.dma_semaphore, #tpu.memory_space<semaphore_mem>>)
      tpu.wait_dma2 semaphore(%run_scoped3A : memref<!tpu.dma_semaphore, #tpu.memory_space<semaphore_mem>>) src(%arg3 : memref<8192xi32, #tpu.memory_space<hbm>>) dst(%arg14 : memref<8192xi32, #tpu.memory_space<vmem>>)
      tpu.yield
    }) : () -> ()
    "tpu.region"() ({
      %run_scoped3A = tpu.sem_alloc : memref<!tpu.dma_semaphore, #tpu.memory_space<semaphore_mem>>
      tpu.enqueue_dma source(%arg4 : memref<8192xi32, #tpu.memory_space<hbm>>) target(%arg15 : memref<8192xi32, #tpu.memory_space<vmem>>) target_semaphore(%run_scoped3A : memref<!tpu.dma_semaphore, #tpu.memory_space<semaphore_mem>>)
      tpu.wait_dma2 semaphore(%run_scoped3A : memref<!tpu.dma_semaphore, #tpu.memory_space<semaphore_mem>>) src(%arg4 : memref<8192xi32, #tpu.memory_space<hbm>>) dst(%arg15 : memref<8192xi32, #tpu.memory_space<vmem>>)
      tpu.yield
    }) : () -> ()
    "tpu.region"() ({
      %run_scoped3A = tpu.sem_alloc : memref<!tpu.dma_semaphore, #tpu.memory_space<semaphore_mem>>
      tpu.enqueue_dma source(%arg5 : memref<2048xi32, #tpu.memory_space<hbm>>) target(%arg16 : memref<2048xi32, #tpu.memory_space<vmem>>) target_semaphore(%run_scoped3A : memref<!tpu.dma_semaphore, #tpu.memory_space<semaphore_mem>>)
      tpu.wait_dma2 semaphore(%run_scoped3A : memref<!tpu.dma_semaphore, #tpu.memory_space<semaphore_mem>>) src(%arg5 : memref<2048xi32, #tpu.memory_space<hbm>>) dst(%arg16 : memref<2048xi32, #tpu.memory_space<vmem>>)
      tpu.yield
    }) : () -> ()
    "tpu.region"() ({
      %run_scoped3A = tpu.sem_alloc : memref<!tpu.dma_semaphore, #tpu.memory_space<semaphore_mem>>
      tpu.enqueue_dma source(%arg6 : memref<1536xi32, #tpu.memory_space<hbm>>) target(%arg17 : memref<1536xi32, #tpu.memory_space<vmem>>) target_semaphore(%run_scoped3A : memref<!tpu.dma_semaphore, #tpu.memory_space<semaphore_mem>>)
      tpu.wait_dma2 semaphore(%run_scoped3A : memref<!tpu.dma_semaphore, #tpu.memory_space<semaphore_mem>>) src(%arg6 : memref<1536xi32, #tpu.memory_space<hbm>>) dst(%arg17 : memref<1536xi32, #tpu.memory_space<vmem>>)
      tpu.yield
    }) : () -> ()
    "tpu.region"() ({
      %run_scoped3A = tpu.sem_alloc : memref<!tpu.dma_semaphore, #tpu.memory_space<semaphore_mem>>
      tpu.enqueue_dma source(%arg7 : memref<1536xi32, #tpu.memory_space<hbm>>) target(%arg18 : memref<1536xi32, #tpu.memory_space<vmem>>) target_semaphore(%run_scoped3A : memref<!tpu.dma_semaphore, #tpu.memory_space<semaphore_mem>>)
      tpu.wait_dma2 semaphore(%run_scoped3A : memref<!tpu.dma_semaphore, #tpu.memory_space<semaphore_mem>>) src(%arg7 : memref<1536xi32, #tpu.memory_space<hbm>>) dst(%arg18 : memref<1536xi32, #tpu.memory_space<vmem>>)
      tpu.yield
    }) : () -> ()
    "tpu.region"() ({
      %run_scoped3A = tpu.sem_alloc : memref<!tpu.dma_semaphore, #tpu.memory_space<semaphore_mem>>
      tpu.enqueue_dma source(%arg8 : memref<1536xi32, #tpu.memory_space<hbm>>) target(%arg19 : memref<1536xi32, #tpu.memory_space<vmem>>) target_semaphore(%run_scoped3A : memref<!tpu.dma_semaphore, #tpu.memory_space<semaphore_mem>>)
      tpu.wait_dma2 semaphore(%run_scoped3A : memref<!tpu.dma_semaphore, #tpu.memory_space<semaphore_mem>>) src(%arg8 : memref<1536xi32, #tpu.memory_space<hbm>>) dst(%arg19 : memref<1536xi32, #tpu.memory_space<vmem>>)
      tpu.yield
    }) : () -> ()
    "tpu.region"() ({
      %run_scoped3A = tpu.sem_alloc : memref<!tpu.dma_semaphore, #tpu.memory_space<semaphore_mem>>
      tpu.enqueue_dma source(%arg9 : memref<65536xf32, #tpu.memory_space<hbm>>) target(%arg20 : memref<65536xf32, #tpu.memory_space<vmem>>) target_semaphore(%run_scoped3A : memref<!tpu.dma_semaphore, #tpu.memory_space<semaphore_mem>>)
      tpu.wait_dma2 semaphore(%run_scoped3A : memref<!tpu.dma_semaphore, #tpu.memory_space<semaphore_mem>>) src(%arg9 : memref<65536xf32, #tpu.memory_space<hbm>>) dst(%arg20 : memref<65536xf32, #tpu.memory_space<vmem>>)
      tpu.yield
    }) : () -> ()
    %mul3A = arith.constant 2 : i32
    %mul3A_0 = arith.muli %arg1, %mul3A : i32
    %add3A = arith.addi %mul3A_0, %arg0 : i32
    %iota3A = tpu.iota {dimensions = array<i32: 0>} : vector<16xi32>
    %mul3A_1 = arith.constant 4096 : i32
    %mul3A_2 = vector.broadcast %mul3A_1 : i32 to vector<16xi32>
    %mul3A_3 = arith.muli %iota3A, %mul3A_2 : vector<16xi32>
    %scan3A = arith.constant 0 : i32
    %scan3A_4 = arith.constant 0 : i32
    %scan3A_5 = arith.constant 16 : i32
    %scan3A_6 = arith.addi %scan3A_4, %scan3A_5 : i32
    %scan3A_7 = arith.constant 1 : i32
    %scan3A_8 = scf.for %scan3A_10 = %scan3A_4 to %scan3A_6 step %scan3A_7 iter_args(%scan3A_11 = %scan3A) -> (i32)  : i32 {
      %mul3A_12 = arith.constant 32 : i32
      %mul3A_13 = arith.muli %mul3A_12, %scan3A_10 : i32
      %add3A_14 = arith.addi %add3A, %mul3A_13 : i32
      %mul3A_15 = arith.constant 16 : i32
      %mul3A_16 = arith.muli %add3A_14, %mul3A_15 : i32
      %multiple_of3A = tpu.assume_multiple %mul3A_16, 8 : i32
      %get3A = arith.index_cast %multiple_of3A : i32 to index
      %get3A_17 = tpu.vector_load %arg13[%get3A] {strides = array<i32>} : memref<8192xi32, #tpu.memory_space<vmem>>, vector<16xi32>,
      %add3A_18 = arith.addi %mul3A_3, %get3A_17 : vector<16xi32>
      %add3A_19 = arith.constant 1 : i32
      %add3A_20 = arith.addi %add3A_14, %add3A_19 : i32
      %while3A = arith.constant 0 : i32
      %while3A_21 = arith.constant -1.000000e+00 : f32
      %while3A_22 = arith.constant 0 : i32
      %while3A_23 = arith.subi %add3A_20, %while3A : i32
      %while3A_24 = arith.addi %while3A, %while3A_23 : i32
      %while3A_25 = arith.constant 1 : i32
      %while3A_26 = arith.divsi %while3A_23, %while3A_25 : i32
      %while3A_27 = arith.muli %while3A_26, %while3A_25 : i32
      %while3A_28 = arith.addi %while3A, %while3A_27 : i32
      %while3A_29 = arith.constant 1 : i32
      %while3A_30:2 = scf.for %while3A_98 = %while3A to %while3A_28 step %while3A_29 iter_args(%while3A_99 = %while3A_21, %while3A_100 = %while3A_22) -> (f32, i32)  : i32 {
        %mul3A_101 = arith.constant 16 : i32
        %mul3A_102 = arith.muli %while3A_98, %mul3A_101 : i32
        %multiple_of3A_103 = tpu.assume_multiple %mul3A_102, 8 : i32
        %get3A_104 = arith.index_cast %multiple_of3A_103 : i32 to index
        %get3A_105 = tpu.vector_load %arg14[%get3A_104] {strides = array<i32>} : memref<8192xi32, #tpu.memory_space<vmem>>, vector<16xi32>,
        %add3A_106 = arith.addi %add3A_18, %get3A_105 : vector<16xi32>
        %sub3A_107 = arith.subi %add3A_14, %while3A_98 : i32
        %mul3A_108 = arith.constant 16 : i32
        %mul3A_109 = arith.muli %sub3A_107, %mul3A_108 : i32
        %multiple_of3A_110 = tpu.assume_multiple %mul3A_109, 8 : i32
        %get3A_111 = arith.index_cast %multiple_of3A_110 : i32 to index
        %get3A_112 = tpu.vector_load %arg15[%get3A_111] {strides = array<i32>} : memref<8192xi32, #tpu.memory_space<vmem>>, vector<16xi32>,
        %add3A_113 = arith.addi %add3A_106, %get3A_112 : vector<16xi32>
        %gather3A = tpu.vector_load_idx %arg20[%add3A_113] : memref<65536xf32, #tpu.memory_space<vmem>>[vector<16xi32>], vector<16xf32>,
        %reduce_sum3A = arith.constant true
        %reduce_sum3A_114 = vector.broadcast %reduce_sum3A : i1 to vector<16xi1>
        %reduce_sum3A_115 = tpu.scan <sum>, %gather3A masked %reduce_sum3A_114 : vector<16xf32>, vector<16xi1> -> vector<16xf32>
        %reduce_sum3A_116 = vector.extract %reduce_sum3A_115[15] : f32 from vector<16xf32>
        %gt3A_117 = arith.cmpf ogt, %reduce_sum3A_116, %while3A_99 : f32
        %select_n3A_118 = arith.select %gt3A_117, %reduce_sum3A_116, %while3A_99 : f32
        %select_n3A_119 = arith.select %gt3A_117, %while3A_98, %while3A_100 : i32
        scf.yield %select_n3A_118, %select_n3A_119 : f32, i32
      }
      %while3A_31 = arith.constant 1 : i32
      %while3A_32:2 = scf.for %while3A_98 = %while3A_28 to %while3A_24 step %while3A_31 iter_args(%while3A_99 = %while3A_30#0, %while3A_100 = %while3A_30#1) -> (f32, i32)  : i32 {
        %mul3A_101 = arith.constant 16 : i32
        %mul3A_102 = arith.muli %while3A_98, %mul3A_101 : i32
        %multiple_of3A_103 = tpu.assume_multiple %mul3A_102, 8 : i32
        %get3A_104 = arith.index_cast %multiple_of3A_103 : i32 to index
        %get3A_105 = tpu.vector_load %arg14[%get3A_104] {strides = array<i32>} : memref<8192xi32, #tpu.memory_space<vmem>>, vector<16xi32>,
        %add3A_106 = arith.addi %add3A_18, %get3A_105 : vector<16xi32>
        %sub3A_107 = arith.subi %add3A_14, %while3A_98 : i32
        %mul3A_108 = arith.constant 16 : i32
        %mul3A_109 = arith.muli %sub3A_107, %mul3A_108 : i32
        %multiple_of3A_110 = tpu.assume_multiple %mul3A_109, 8 : i32
        %get3A_111 = arith.index_cast %multiple_of3A_110 : i32 to index
        %get3A_112 = tpu.vector_load %arg15[%get3A_111] {strides = array<i32>} : memref<8192xi32, #tpu.memory_space<vmem>>, vector<16xi32>,
        %add3A_113 = arith.addi %add3A_106, %get3A_112 : vector<16xi32>
        %gather3A = tpu.vector_load_idx %arg20[%add3A_113] : memref<65536xf32, #tpu.memory_space<vmem>>[vector<16xi32>], vector<16xf32>,
        %reduce_sum3A = arith.constant true
        %reduce_sum3A_114 = vector.broadcast %reduce_sum3A : i1 to vector<16xi1>
        %reduce_sum3A_115 = tpu.scan <sum>, %gather3A masked %reduce_sum3A_114 : vector<16xf32>, vector<16xi1> -> vector<16xf32>
        %reduce_sum3A_116 = vector.extract %reduce_sum3A_115[15] : f32 from vector<16xf32>
        %gt3A_117 = arith.cmpf ogt, %reduce_sum3A_116, %while3A_99 : f32
        %select_n3A_118 = arith.select %gt3A_117, %reduce_sum3A_116, %while3A_99 : f32
        %select_n3A_119 = arith.select %gt3A_117, %while3A_98, %while3A_100 : i32
        scf.yield %select_n3A_118, %select_n3A_119 : f32, i32
      }
      %convert_element_type3A = arith.fptosi %while3A_32#0 : f32 to i32
      %convert_element_type3A_33 = arith.sitofp %convert_element_type3A : i32 to f32
      %sub3A = arith.subf %while3A_32#0, %convert_element_type3A_33 : f32
      %gt3A = arith.constant 5.000000e-01 : f32
      %gt3A_34 = arith.cmpf ogt, %sub3A, %gt3A : f32
      %eq3A = arith.constant 5.000000e-01 : f32
      %eq3A_35 = arith.cmpf oeq, %sub3A, %eq3A : f32
      %and3A = arith.constant 1 : i32
      %and3A_36 = arith.andi %convert_element_type3A, %and3A : i32
      %eq3A_37 = arith.constant 1 : i32
      %eq3A_38 = arith.cmpi eq, %and3A_36, %eq3A_37 : i32
      %and3A_39 = arith.andi %eq3A_35, %eq3A_38 : i1
      %or3A = arith.ori %gt3A_34, %and3A_39 : i1
      %convert_element_type3A_40 = arith.extui %or3A : i1 to i32
      %add3A_41 = arith.addi %convert_element_type3A, %convert_element_type3A_40 : i32
      %jit3A = arith.constant 0 : i32
      %jit3A_42 = arith.constant 16 : i32
      %max3A = arith.maxsi %jit3A, %add3A_41 : i32
      %min3A = arith.minsi %jit3A_42, %max3A : i32
      %scan3A_43 = arith.constant 0 : i32
      %scan3A_44 = arith.constant 0 : i32
      %scan3A_45 = arith.constant 8 : i32
      %scan3A_46 = arith.addi %scan3A_44, %scan3A_45 : i32
      %scan3A_47 = arith.constant 1 : i32
      %scan3A_48 = scf.for %scan3A_98 = %scan3A_44 to %scan3A_46 step %scan3A_47 iter_args(%scan3A_99 = %scan3A_43) -> (i32)  : i32 {
        %mul3A_100 = arith.constant 16 : i32
        %mul3A_101 = arith.muli %scan3A_98, %mul3A_100 : i32
        %broadcast_in_dim3A_102 = arith.constant 0 : i32
        %broadcast_in_dim3A_103 = vector.broadcast %broadcast_in_dim3A_102 : i32 to vector<16xi32>
        %add3A_104 = arith.constant 0 : i32
        %add3A_105 = arith.addi %add3A_104, %mul3A_101 : i32
        %multiple_of3A_106 = tpu.assume_multiple %add3A_105, 8 : i32
        %mul3A_107 = arith.constant 4 : i32
        %mul3A_108 = arith.muli %while3A_32#1, %mul3A_107 : i32
        %get3A_109 = arith.index_cast %multiple_of3A_106 : i32 to index
        %get3A_110 = tpu.vector_load %arg17[%get3A_109] {strides = array<i32>} : memref<1536xi32, #tpu.memory_space<vmem>>, vector<16xi32>,
        %add3A_111 = vector.broadcast %mul3A_108 : i32 to vector<16xi32>
        %add3A_112 = arith.addi %add3A_111, %get3A_110 : vector<16xi32>
        %gather3A = tpu.vector_load_idx %arg16[%add3A_112] : memref<2048xi32, #tpu.memory_space<vmem>>[vector<16xi32>], vector<16xi32>,
        %get3A_113 = arith.index_cast %multiple_of3A_106 : i32 to index
        %get3A_114 = tpu.vector_load %arg18[%get3A_113] {strides = array<i32>} : memref<1536xi32, #tpu.memory_space<vmem>>, vector<16xi32>,
        %shift_right_arithmetic3A_115 = arith.shrsi %gather3A, %get3A_114 : vector<16xi32>
        %and3A_116 = arith.constant 1 : i32
        %and3A_117 = vector.broadcast %and3A_116 : i32 to vector<16xi32>
        %and3A_118 = arith.andi %shift_right_arithmetic3A_115, %and3A_117 : vector<16xi32>
        %shift_left3A = arith.constant 11 : i32
        %shift_left3A_119 = vector.broadcast %shift_left3A : i32 to vector<16xi32>
        %shift_left3A_120 = arith.shli %and3A_118, %shift_left3A_119 : vector<16xi32>
        %add3A_121 = arith.addi %broadcast_in_dim3A_103, %shift_left3A_120 : vector<16xi32>
        %add3A_122 = arith.constant 128 : i32
        %add3A_123 = arith.addi %add3A_122, %mul3A_101 : i32
        %multiple_of3A_124 = tpu.assume_multiple %add3A_123, 8 : i32
        %mul3A_125 = arith.constant 4 : i32
        %mul3A_126 = arith.muli %while3A_32#1, %mul3A_125 : i32
        %get3A_127 = arith.index_cast %multiple_of3A_124 : i32 to index
        %get3A_128 = tpu.vector_load %arg17[%get3A_127] {strides = array<i32>} : memref<1536xi32, #tpu.memory_space<vmem>>, vector<16xi32>,
        %add3A_129 = vector.broadcast %mul3A_126 : i32 to vector<16xi32>
        %add3A_130 = arith.addi %add3A_129, %get3A_128 : vector<16xi32>
        %gather3A_131 = tpu.vector_load_idx %arg16[%add3A_130] : memref<2048xi32, #tpu.memory_space<vmem>>[vector<16xi32>], vector<16xi32>,
        %get3A_132 = arith.index_cast %multiple_of3A_124 : i32 to index
        %get3A_133 = tpu.vector_load %arg18[%get3A_132] {strides = array<i32>} : memref<1536xi32, #tpu.memory_space<vmem>>, vector<16xi32>,
        %shift_right_arithmetic3A_134 = arith.shrsi %gather3A_131, %get3A_133 : vector<16xi32>
        %and3A_135 = arith.constant 1 : i32
        %and3A_136 = vector.broadcast %and3A_135 : i32 to vector<16xi32>
        %and3A_137 = arith.andi %shift_right_arithmetic3A_134, %and3A_136 : vector<16xi32>
        %shift_left3A_138 = arith.constant 10 : i32
        %shift_left3A_139 = vector.broadcast %shift_left3A_138 : i32 to vector<16xi32>
        %shift_left3A_140 = arith.shli %and3A_137, %shift_left3A_139 : vector<16xi32>
        %add3A_141 = arith.addi %add3A_121, %shift_left3A_140 : vector<16xi32>
        %add3A_142 = arith.constant 256 : i32
        %add3A_143 = arith.addi %add3A_142, %mul3A_101 : i32
        %multiple_of3A_144 = tpu.assume_multiple %add3A_143, 8 : i32
        %mul3A_145 = arith.constant 4 : i32
        %mul3A_146 = arith.muli %while3A_32#1, %mul3A_145 : i32
        %get3A_147 = arith.index_cast %multiple_of3A_144 : i32 to index
        %get3A_148 = tpu.vector_load %arg17[%get3A_147] {strides = array<i32>} : memref<1536xi32, #tpu.memory_space<vmem>>, vector<16xi32>,
        %add3A_149 = vector.broadcast %mul3A_146 : i32 to vector<16xi32>
        %add3A_150 = arith.addi %add3A_149, %get3A_148 : vector<16xi32>
        %gather3A_151 = tpu.vector_load_idx %arg16[%add3A_150] : memref<2048xi32, #tpu.memory_space<vmem>>[vector<16xi32>], vector<16xi32>,
        %get3A_152 = arith.index_cast %multiple_of3A_144 : i32 to index
        %get3A_153 = tpu.vector_load %arg18[%get3A_152] {strides = array<i32>} : memref<1536xi32, #tpu.memory_space<vmem>>, vector<16xi32>,
        %shift_right_arithmetic3A_154 = arith.shrsi %gather3A_151, %get3A_153 : vector<16xi32>
        %and3A_155 = arith.constant 1 : i32
        %and3A_156 = vector.broadcast %and3A_155 : i32 to vector<16xi32>
        %and3A_157 = arith.andi %shift_right_arithmetic3A_154, %and3A_156 : vector<16xi32>
        %shift_left3A_158 = arith.constant 9 : i32
        %shift_left3A_159 = vector.broadcast %shift_left3A_158 : i32 to vector<16xi32>
        %shift_left3A_160 = arith.shli %and3A_157, %shift_left3A_159 : vector<16xi32>
        %add3A_161 = arith.addi %add3A_141, %shift_left3A_160 : vector<16xi32>
        %add3A_162 = arith.constant 384 : i32
        %add3A_163 = arith.addi %add3A_162, %mul3A_101 : i32
        %multiple_of3A_164 = tpu.assume_multiple %add3A_163, 8 : i32
        %mul3A_165 = arith.constant 4 : i32
        %mul3A_166 = arith.muli %while3A_32#1, %mul3A_165 : i32
        %get3A_167 = arith.index_cast %multiple_of3A_164 : i32 to index
        %get3A_168 = tpu.vector_load %arg17[%get3A_167] {strides = array<i32>} : memref<1536xi32, #tpu.memory_space<vmem>>, vector<16xi32>,
        %add3A_169 = vector.broadcast %mul3A_166 : i32 to vector<16xi32>
        %add3A_170 = arith.addi %add3A_169, %get3A_168 : vector<16xi32>
        %gather3A_171 = tpu.vector_load_idx %arg16[%add3A_170] : memref<2048xi32, #tpu.memory_space<vmem>>[vector<16xi32>], vector<16xi32>,
        %get3A_172 = arith.index_cast %multiple_of3A_164 : i32 to index
        %get3A_173 = tpu.vector_load %arg18[%get3A_172] {strides = array<i32>} : memref<1536xi32, #tpu.memory_space<vmem>>, vector<16xi32>,
        %shift_right_arithmetic3A_174 = arith.shrsi %gather3A_171, %get3A_173 : vector<16xi32>
        %and3A_175 = arith.constant 1 : i32
        %and3A_176 = vector.broadcast %and3A_175 : i32 to vector<16xi32>
        %and3A_177 = arith.andi %shift_right_arithmetic3A_174, %and3A_176 : vector<16xi32>
        %shift_left3A_178 = arith.constant 8 : i32
        %shift_left3A_179 = vector.broadcast %shift_left3A_178 : i32 to vector<16xi32>
        %shift_left3A_180 = arith.shli %and3A_177, %shift_left3A_179 : vector<16xi32>
        %add3A_181 = arith.addi %add3A_161, %shift_left3A_180 : vector<16xi32>
        %add3A_182 = arith.constant 512 : i32
        %add3A_183 = arith.addi %add3A_182, %mul3A_101 : i32
        %multiple_of3A_184 = tpu.assume_multiple %add3A_183, 8 : i32
        %mul3A_185 = arith.constant 4 : i32
        %mul3A_186 = arith.muli %while3A_32#1, %mul3A_185 : i32
        %get3A_187 = arith.index_cast %multiple_of3A_184 : i32 to index
        %get3A_188 = tpu.vector_load %arg17[%get3A_187] {strides = array<i32>} : memref<1536xi32, #tpu.memory_space<vmem>>, vector<16xi32>,
        %add3A_189 = vector.broadcast %mul3A_186 : i32 to vector<16xi32>
        %add3A_190 = arith.addi %add3A_189, %get3A_188 : vector<16xi32>
        %gather3A_191 = tpu.vector_load_idx %arg16[%add3A_190] : memref<2048xi32, #tpu.memory_space<vmem>>[vector<16xi32>], vector<16xi32>,
        %get3A_192 = arith.index_cast %multiple_of3A_184 : i32 to index
        %get3A_193 = tpu.vector_load %arg18[%get3A_192] {strides = array<i32>} : memref<1536xi32, #tpu.memory_space<vmem>>, vector<16xi32>,
        %shift_right_arithmetic3A_194 = arith.shrsi %gather3A_191, %get3A_193 : vector<16xi32>
        %and3A_195 = arith.constant 1 : i32
        %and3A_196 = vector.broadcast %and3A_195 : i32 to vector<16xi32>
        %and3A_197 = arith.andi %shift_right_arithmetic3A_194, %and3A_196 : vector<16xi32>
        %shift_left3A_198 = arith.constant 7 : i32
        %shift_left3A_199 = vector.broadcast %shift_left3A_198 : i32 to vector<16xi32>
        %shift_left3A_200 = arith.shli %and3A_197, %shift_left3A_199 : vector<16xi32>
        %add3A_201 = arith.addi %add3A_181, %shift_left3A_200 : vector<16xi32>
        %add3A_202 = arith.constant 640 : i32
        %add3A_203 = arith.addi %add3A_202, %mul3A_101 : i32
        %multiple_of3A_204 = tpu.assume_multiple %add3A_203, 8 : i32
        %mul3A_205 = arith.constant 4 : i32
        %mul3A_206 = arith.muli %while3A_32#1, %mul3A_205 : i32
        %get3A_207 = arith.index_cast %multiple_of3A_204 : i32 to index
        %get3A_208 = tpu.vector_load %arg17[%get3A_207] {strides = array<i32>} : memref<1536xi32, #tpu.memory_space<vmem>>, vector<16xi32>,
        %add3A_209 = vector.broadcast %mul3A_206 : i32 to vector<16xi32>
        %add3A_210 = arith.addi %add3A_209, %get3A_208 : vector<16xi32>
        %gather3A_211 = tpu.vector_load_idx %arg16[%add3A_210] : memref<2048xi32, #tpu.memory_space<vmem>>[vector<16xi32>], vector<16xi32>,
        %get3A_212 = arith.index_cast %multiple_of3A_204 : i32 to index
        %get3A_213 = tpu.vector_load %arg18[%get3A_212] {strides = array<i32>} : memref<1536xi32, #tpu.memory_space<vmem>>, vector<16xi32>,
        %shift_right_arithmetic3A_214 = arith.shrsi %gather3A_211, %get3A_213 : vector<16xi32>
        %and3A_215 = arith.constant 1 : i32
        %and3A_216 = vector.broadcast %and3A_215 : i32 to vector<16xi32>
        %and3A_217 = arith.andi %shift_right_arithmetic3A_214, %and3A_216 : vector<16xi32>
        %shift_left3A_218 = arith.constant 6 : i32
        %shift_left3A_219 = vector.broadcast %shift_left3A_218 : i32 to vector<16xi32>
        %shift_left3A_220 = arith.shli %and3A_217, %shift_left3A_219 : vector<16xi32>
        %add3A_221 = arith.addi %add3A_201, %shift_left3A_220 : vector<16xi32>
        %add3A_222 = arith.constant 768 : i32
        %add3A_223 = arith.addi %add3A_222, %mul3A_101 : i32
        %multiple_of3A_224 = tpu.assume_multiple %add3A_223, 8 : i32
        %mul3A_225 = arith.constant 4 : i32
        %mul3A_226 = arith.muli %while3A_32#1, %mul3A_225 : i32
        %get3A_227 = arith.index_cast %multiple_of3A_224 : i32 to index
        %get3A_228 = tpu.vector_load %arg17[%get3A_227] {strides = array<i32>} : memref<1536xi32, #tpu.memory_space<vmem>>, vector<16xi32>,
        %add3A_229 = vector.broadcast %mul3A_226 : i32 to vector<16xi32>
        %add3A_230 = arith.addi %add3A_229, %get3A_228 : vector<16xi32>
        %gather3A_231 = tpu.vector_load_idx %arg16[%add3A_230] : memref<2048xi32, #tpu.memory_space<vmem>>[vector<16xi32>], vector<16xi32>,
        %get3A_232 = arith.index_cast %multiple_of3A_224 : i32 to index
        %get3A_233 = tpu.vector_load %arg18[%get3A_232] {strides = array<i32>} : memref<1536xi32, #tpu.memory_space<vmem>>, vector<16xi32>,
        %shift_right_arithmetic3A_234 = arith.shrsi %gather3A_231, %get3A_233 : vector<16xi32>
        %and3A_235 = arith.constant 1 : i32
        %and3A_236 = vector.broadcast %and3A_235 : i32 to vector<16xi32>
        %and3A_237 = arith.andi %shift_right_arithmetic3A_234, %and3A_236 : vector<16xi32>
        %shift_left3A_238 = arith.constant 5 : i32
        %shift_left3A_239 = vector.broadcast %shift_left3A_238 : i32 to vector<16xi32>
        %shift_left3A_240 = arith.shli %and3A_237, %shift_left3A_239 : vector<16xi32>
        %add3A_241 = arith.addi %add3A_221, %shift_left3A_240 : vector<16xi32>
        %add3A_242 = arith.constant 896 : i32
        %add3A_243 = arith.addi %add3A_242, %mul3A_101 : i32
        %multiple_of3A_244 = tpu.assume_multiple %add3A_243, 8 : i32
        %mul3A_245 = arith.constant 4 : i32
        %mul3A_246 = arith.muli %while3A_32#1, %mul3A_245 : i32
        %get3A_247 = arith.index_cast %multiple_of3A_244 : i32 to index
        %get3A_248 = tpu.vector_load %arg17[%get3A_247] {strides = array<i32>} : memref<1536xi32, #tpu.memory_space<vmem>>, vector<16xi32>,
        %add3A_249 = vector.broadcast %mul3A_246 : i32 to vector<16xi32>
        %add3A_250 = arith.addi %add3A_249, %get3A_248 : vector<16xi32>
        %gather3A_251 = tpu.vector_load_idx %arg16[%add3A_250] : memref<2048xi32, #tpu.memory_space<vmem>>[vector<16xi32>], vector<16xi32>,
        %get3A_252 = arith.index_cast %multiple_of3A_244 : i32 to index
        %get3A_253 = tpu.vector_load %arg18[%get3A_252] {strides = array<i32>} : memref<1536xi32, #tpu.memory_space<vmem>>, vector<16xi32>,
        %shift_right_arithmetic3A_254 = arith.shrsi %gather3A_251, %get3A_253 : vector<16xi32>
        %and3A_255 = arith.constant 1 : i32
        %and3A_256 = vector.broadcast %and3A_255 : i32 to vector<16xi32>
        %and3A_257 = arith.andi %shift_right_arithmetic3A_254, %and3A_256 : vector<16xi32>
        %shift_left3A_258 = arith.constant 4 : i32
        %shift_left3A_259 = vector.broadcast %shift_left3A_258 : i32 to vector<16xi32>
        %shift_left3A_260 = arith.shli %and3A_257, %shift_left3A_259 : vector<16xi32>
        %add3A_261 = arith.addi %add3A_241, %shift_left3A_260 : vector<16xi32>
        %add3A_262 = arith.constant 1024 : i32
        %add3A_263 = arith.addi %add3A_262, %mul3A_101 : i32
        %multiple_of3A_264 = tpu.assume_multiple %add3A_263, 8 : i32
        %mul3A_265 = arith.constant 4 : i32
        %mul3A_266 = arith.muli %while3A_32#1, %mul3A_265 : i32
        %get3A_267 = arith.index_cast %multiple_of3A_264 : i32 to index
        %get3A_268 = tpu.vector_load %arg17[%get3A_267] {strides = array<i32>} : memref<1536xi32, #tpu.memory_space<vmem>>, vector<16xi32>,
        %add3A_269 = vector.broadcast %mul3A_266 : i32 to vector<16xi32>
        %add3A_270 = arith.addi %add3A_269, %get3A_268 : vector<16xi32>
        %gather3A_271 = tpu.vector_load_idx %arg16[%add3A_270] : memref<2048xi32, #tpu.memory_space<vmem>>[vector<16xi32>], vector<16xi32>,
        %get3A_272 = arith.index_cast %multiple_of3A_264 : i32 to index
        %get3A_273 = tpu.vector_load %arg18[%get3A_272] {strides = array<i32>} : memref<1536xi32, #tpu.memory_space<vmem>>, vector<16xi32>,
        %shift_right_arithmetic3A_274 = arith.shrsi %gather3A_271, %get3A_273 : vector<16xi32>
        %and3A_275 = arith.constant 1 : i32
        %and3A_276 = vector.broadcast %and3A_275 : i32 to vector<16xi32>
        %and3A_277 = arith.andi %shift_right_arithmetic3A_274, %and3A_276 : vector<16xi32>
        %shift_left3A_278 = arith.constant 3 : i32
        %shift_left3A_279 = vector.broadcast %shift_left3A_278 : i32 to vector<16xi32>
        %shift_left3A_280 = arith.shli %and3A_277, %shift_left3A_279 : vector<16xi32>
        %add3A_281 = arith.addi %add3A_261, %shift_left3A_280 : vector<16xi32>
        %add3A_282 = arith.constant 1152 : i32
        %add3A_283 = arith.addi %add3A_282, %mul3A_101 : i32
        %multiple_of3A_284 = tpu.assume_multiple %add3A_283, 8 : i32
        %mul3A_285 = arith.constant 4 : i32
        %mul3A_286 = arith.muli %while3A_32#1, %mul3A_285 : i32
        %get3A_287 = arith.index_cast %multiple_of3A_284 : i32 to index
        %get3A_288 = tpu.vector_load %arg17[%get3A_287] {strides = array<i32>} : memref<1536xi32, #tpu.memory_space<vmem>>, vector<16xi32>,
        %add3A_289 = vector.broadcast %mul3A_286 : i32 to vector<16xi32>
        %add3A_290 = arith.addi %add3A_289, %get3A_288 : vector<16xi32>
        %gather3A_291 = tpu.vector_load_idx %arg16[%add3A_290] : memref<2048xi32, #tpu.memory_space<vmem>>[vector<16xi32>], vector<16xi32>,
        %get3A_292 = arith.index_cast %multiple_of3A_284 : i32 to index
        %get3A_293 = tpu.vector_load %arg18[%get3A_292] {strides = array<i32>} : memref<1536xi32, #tpu.memory_space<vmem>>, vector<16xi32>,
        %shift_right_arithmetic3A_294 = arith.shrsi %gather3A_291, %get3A_293 : vector<16xi32>
        %and3A_295 = arith.constant 1 : i32
        %and3A_296 = vector.broadcast %and3A_295 : i32 to vector<16xi32>
        %and3A_297 = arith.andi %shift_right_arithmetic3A_294, %and3A_296 : vector<16xi32>
        %shift_left3A_298 = arith.constant 2 : i32
        %shift_left3A_299 = vector.broadcast %shift_left3A_298 : i32 to vector<16xi32>
        %shift_left3A_300 = arith.shli %and3A_297, %shift_left3A_299 : vector<16xi32>
        %add3A_301 = arith.addi %add3A_281, %shift_left3A_300 : vector<16xi32>
        %add3A_302 = arith.constant 1280 : i32
        %add3A_303 = arith.addi %add3A_302, %mul3A_101 : i32
        %multiple_of3A_304 = tpu.assume_multiple %add3A_303, 8 : i32
        %mul3A_305 = arith.constant 4 : i32
        %mul3A_306 = arith.muli %while3A_32#1, %mul3A_305 : i32
        %get3A_307 = arith.index_cast %multiple_of3A_304 : i32 to index
        %get3A_308 = tpu.vector_load %arg17[%get3A_307] {strides = array<i32>} : memref<1536xi32, #tpu.memory_space<vmem>>, vector<16xi32>,
        %add3A_309 = vector.broadcast %mul3A_306 : i32 to vector<16xi32>
        %add3A_310 = arith.addi %add3A_309, %get3A_308 : vector<16xi32>
        %gather3A_311 = tpu.vector_load_idx %arg16[%add3A_310] : memref<2048xi32, #tpu.memory_space<vmem>>[vector<16xi32>], vector<16xi32>,
        %get3A_312 = arith.index_cast %multiple_of3A_304 : i32 to index
        %get3A_313 = tpu.vector_load %arg18[%get3A_312] {strides = array<i32>} : memref<1536xi32, #tpu.memory_space<vmem>>, vector<16xi32>,
        %shift_right_arithmetic3A_314 = arith.shrsi %gather3A_311, %get3A_313 : vector<16xi32>
        %and3A_315 = arith.constant 1 : i32
        %and3A_316 = vector.broadcast %and3A_315 : i32 to vector<16xi32>
        %and3A_317 = arith.andi %shift_right_arithmetic3A_314, %and3A_316 : vector<16xi32>
        %shift_left3A_318 = arith.constant 1 : i32
        %shift_left3A_319 = vector.broadcast %shift_left3A_318 : i32 to vector<16xi32>
        %shift_left3A_320 = arith.shli %and3A_317, %shift_left3A_319 : vector<16xi32>
        %add3A_321 = arith.addi %add3A_301, %shift_left3A_320 : vector<16xi32>
        %add3A_322 = arith.constant 1408 : i32
        %add3A_323 = arith.addi %add3A_322, %mul3A_101 : i32
        %multiple_of3A_324 = tpu.assume_multiple %add3A_323, 8 : i32
        %mul3A_325 = arith.constant 4 : i32
        %mul3A_326 = arith.muli %while3A_32#1, %mul3A_325 : i32
        %get3A_327 = arith.index_cast %multiple_of3A_324 : i32 to index
        %get3A_328 = tpu.vector_load %arg17[%get3A_327] {strides = array<i32>} : memref<1536xi32, #tpu.memory_space<vmem>>, vector<16xi32>,
        %add3A_329 = vector.broadcast %mul3A_326 : i32 to vector<16xi32>
        %add3A_330 = arith.addi %add3A_329, %get3A_328 : vector<16xi32>
        %gather3A_331 = tpu.vector_load_idx %arg16[%add3A_330] : memref<2048xi32, #tpu.memory_space<vmem>>[vector<16xi32>], vector<16xi32>,
        %get3A_332 = arith.index_cast %multiple_of3A_324 : i32 to index
        %get3A_333 = tpu.vector_load %arg18[%get3A_332] {strides = array<i32>} : memref<1536xi32, #tpu.memory_space<vmem>>, vector<16xi32>,
        %shift_right_arithmetic3A_334 = arith.shrsi %gather3A_331, %get3A_333 : vector<16xi32>
        %and3A_335 = arith.constant 1 : i32
        %and3A_336 = vector.broadcast %and3A_335 : i32 to vector<16xi32>
        %and3A_337 = arith.andi %shift_right_arithmetic3A_334, %and3A_336 : vector<16xi32>
        %shift_left3A_338 = arith.constant 0 : i32
        %shift_left3A_339 = vector.broadcast %shift_left3A_338 : i32 to vector<16xi32>
        %shift_left3A_340 = arith.shli %and3A_337, %shift_left3A_339 : vector<16xi32>
        %add3A_341 = arith.addi %add3A_321, %shift_left3A_340 : vector<16xi32>
        %multiple_of3A_342 = tpu.assume_multiple %mul3A_101, 8 : i32
        %add3A_343 = vector.broadcast %mul3A_101 : i32 to vector<16xi32>
        %add3A_344 = arith.addi %add3A_343, %iota3A : vector<16xi32>
        %mul3A_345 = arith.constant 32 : i32
        %mul3A_346 = vector.broadcast %mul3A_345 : i32 to vector<16xi32>
        %mul3A_347 = arith.muli %add3A_344, %mul3A_346 : vector<16xi32>
        %shift_right_arithmetic3A_348 = arith.constant 7 : i32
        %shift_right_arithmetic3A_349 = vector.broadcast %shift_right_arithmetic3A_348 : i32 to vector<16xi32>
        %shift_right_arithmetic3A_350 = arith.shrsi %add3A_341, %shift_right_arithmetic3A_349 : vector<16xi32>
        %add3A_351 = arith.addi %mul3A_347, %shift_right_arithmetic3A_350 : vector<16xi32>
        %swap3A_352 = arith.index_cast %multiple_of3A_342 : i32 to index
        %swap3A_353 = tpu.vector_load %arg22[%swap3A_352] {strides = array<i32>} : memref<128xi32, #tpu.memory_space<vmem>>, vector<16xi32>,
        tpu.vector_store %arg22[%swap3A_352], %add3A_351 {strides = array<i32>} : memref<128xi32, #tpu.memory_space<vmem>>, vector<16xi32>,
        %and3A_354 = arith.constant 127 : i32
        %and3A_355 = vector.broadcast %and3A_354 : i32 to vector<16xi32>
        %and3A_356 = arith.andi %add3A_341, %and3A_355 : vector<16xi32>
        %swap3A_357 = arith.index_cast %multiple_of3A_342 : i32 to index
        %swap3A_358 = tpu.vector_load %arg21[%swap3A_357] {strides = array<i32>} : memref<128xi32, #tpu.memory_space<vmem>>, vector<16xi32>,
        tpu.vector_store %arg21[%swap3A_357], %and3A_356 {strides = array<i32>} : memref<128xi32, #tpu.memory_space<vmem>>, vector<16xi32>,
        %scan3A_359 = arith.constant 0 : i32
        scf.yield %scan3A_359 : i32
      }
      %scan3A_49 = arith.constant 8 : i32
      %dma_start3A = arith.constant 0 : i32
      %dma_start3A_50 = arith.constant 0 : i32
      %dma_start3A_51 = tpu.memref_slice %arg10[%dma_start3A, %dma_start3A_50] : memref<4096x128xf32, #tpu.memory_space<hbm>> -> memref<4096x128xf32, #tpu.memory_space<hbm>>
      tpu.enqueue_indirect_dma source(%dma_start3A_51 : memref<4096x128xf32, #tpu.memory_space<hbm>>) target(%arg23 : memref<128x128xf32, #tpu.memory_space<vmem>>) offsets(%arg22 : memref<128xi32, #tpu.memory_space<vmem>>) semaphore(%arg26 : memref<!tpu.dma_semaphore, #tpu.memory_space<semaphore_mem>>)
      %dma_wait3A = arith.constant 0 : i32
      %dma_wait3A_52 = arith.constant 0 : i32
      %dma_wait3A_53 = tpu.memref_slice %arg10[%dma_wait3A, %dma_wait3A_52] : memref<4096x128xf32, #tpu.memory_space<hbm>> -> memref<4096x128xf32, #tpu.memory_space<hbm>>
      tpu.wait_indirect_dma semaphore(%arg26 : memref<!tpu.dma_semaphore, #tpu.memory_space<semaphore_mem>>) src(%dma_wait3A_53 : memref<4096x128xf32, #tpu.memory_space<hbm>>) dst(%arg23 : memref<128x128xf32, #tpu.memory_space<vmem>>)
      %gt3A_54 = arith.constant 0.000000e+00 : f32
      %gt3A_55 = arith.cmpf ogt, %while3A_32#0, %gt3A_54 : f32
      %scan3A_56 = arith.constant 0 : i32
      %scan3A_57 = arith.constant 0 : i32
      %scan3A_58 = arith.constant 8 : i32
      %scan3A_59 = arith.addi %scan3A_57, %scan3A_58 : i32
      %scan3A_60 = arith.constant 1 : i32
      %scan3A_61 = scf.for %scan3A_98 = %scan3A_57 to %scan3A_59 step %scan3A_60 iter_args(%scan3A_99 = %scan3A_56) -> (i32)  : i32 {
        %mul3A_100 = arith.constant 16 : i32
        %mul3A_101 = arith.muli %scan3A_98, %mul3A_100 : i32
        %multiple_of3A_102 = tpu.assume_multiple %mul3A_101, 8 : i32
        %add3A_103 = vector.broadcast %mul3A_101 : i32 to vector<16xi32>
        %add3A_104 = arith.addi %add3A_103, %iota3A : vector<16xi32>
        %get3A_105 = arith.index_cast %multiple_of3A_102 : i32 to index
        %get3A_106 = tpu.vector_load %arg21[%get3A_105] {strides = array<i32>} : memref<128xi32, #tpu.memory_space<vmem>>, vector<16xi32>,
        %gather3A = tpu.vector_load_idx %arg23[%add3A_104, %get3A_106] : memref<128x128xf32, #tpu.memory_space<vmem>>[vector<16xi32>, vector<16xi32>], vector<16xf32>,
        %gt3A_107 = arith.constant 5.000000e-01 : f32
        %gt3A_108 = vector.broadcast %gt3A_107 : f32 to vector<16xf32>
        %gt3A_109 = arith.cmpf ogt, %gather3A, %gt3A_108 : vector<16xf32>
        %and3A_110 = vector.broadcast %gt3A_55 : i1 to vector<16xi1>
        %and3A_111 = arith.andi %gt3A_109, %and3A_110 : vector<16xi1>
        %jit3A_112 = arith.constant 1 : i32
        %jit3A_113 = arith.constant 0 : i32
        %broadcast_in_dim3A_114 = vector.broadcast %jit3A_112 : i32 to vector<16xi32>
        %broadcast_in_dim3A_115 = vector.broadcast %jit3A_113 : i32 to vector<16xi32>
        %select_n3A_116 = arith.select %and3A_111, %broadcast_in_dim3A_114, %broadcast_in_dim3A_115 : vector<16xi1>, vector<16xi32>
        %swap3A_117 = arith.index_cast %multiple_of3A_102 : i32 to index
        %swap3A_118 = tpu.vector_load %arg24[%swap3A_117] {strides = array<i32>} : memref<144xi32, #tpu.memory_space<vmem>>, vector<16xi32>,
        tpu.vector_store %arg24[%swap3A_117], %select_n3A_116 {strides = array<i32>} : memref<144xi32, #tpu.memory_space<vmem>>, vector<16xi32>,
        %scan3A_119 = arith.constant 0 : i32
        scf.yield %scan3A_119 : i32
      }
      %scan3A_62 = arith.constant 8 : i32
      %sub3A_63 = arith.constant 4 : i32
      %sub3A_64 = vector.broadcast %sub3A_63 : i32 to vector<16xi32>
      %sub3A_65 = arith.subi %sub3A_64, %iota3A : vector<16xi32>
      %max3A_66 = arith.constant 0 : i32
      %max3A_67 = vector.broadcast %max3A_66 : i32 to vector<16xi32>
      %max3A_68 = arith.maxsi %sub3A_65, %max3A_67 : vector<16xi32>
      %lt3A = arith.constant 5 : i32
      %lt3A_69 = vector.broadcast %lt3A : i32 to vector<16xi32>
      %lt3A_70 = arith.cmpi slt, %iota3A, %lt3A_69 : vector<16xi32>
      %shift_right_arithmetic3A = vector.broadcast %min3A : i32 to vector<16xi32>
      %shift_right_arithmetic3A_71 = arith.shrsi %shift_right_arithmetic3A, %max3A_68 : vector<16xi32>
      %and3A_72 = arith.constant 1 : i32
      %and3A_73 = vector.broadcast %and3A_72 : i32 to vector<16xi32>
      %and3A_74 = arith.andi %shift_right_arithmetic3A_71, %and3A_73 : vector<16xi32>
      %jit3A_75 = arith.constant 0 : i32
      %broadcast_in_dim3A = vector.broadcast %jit3A_75 : i32 to vector<16xi32>
      %select_n3A = arith.select %lt3A_70, %and3A_74, %broadcast_in_dim3A : vector<16xi1>, vector<16xi32>
      %swap3A = arith.constant 128 : index
      %swap3A_76 = tpu.vector_load %arg24[%swap3A] {strides = array<i32>} : memref<144xi32, #tpu.memory_space<vmem>>, vector<16xi32>,
      tpu.vector_store %arg24[%swap3A], %select_n3A {strides = array<i32>} : memref<144xi32, #tpu.memory_space<vmem>>, vector<16xi32>,
      %scan3A_77 = arith.constant 0 : i32
      %scan3A_78 = arith.constant 0 : i32
      %scan3A_79 = arith.constant 8 : i32
      %scan3A_80 = arith.addi %scan3A_78, %scan3A_79 : i32
      %scan3A_81 = arith.constant 1 : i32
      %scan3A_82 = scf.for %scan3A_98 = %scan3A_78 to %scan3A_80 step %scan3A_81 iter_args(%scan3A_99 = %scan3A_77) -> (i32)  : i32 {
        %mul3A_100 = arith.constant 16 : i32
        %mul3A_101 = arith.muli %scan3A_98, %mul3A_100 : i32
        %broadcast_in_dim3A_102 = arith.constant 0 : i32
        %broadcast_in_dim3A_103 = vector.broadcast %broadcast_in_dim3A_102 : i32 to vector<16xi32>
        %add3A_104 = arith.constant 0 : i32
        %add3A_105 = arith.addi %add3A_104, %mul3A_101 : i32
        %multiple_of3A_106 = tpu.assume_multiple %add3A_105, 8 : i32
        %get3A_107 = arith.index_cast %multiple_of3A_106 : i32 to index
        %get3A_108 = tpu.vector_load %arg19[%get3A_107] {strides = array<i32>} : memref<1536xi32, #tpu.memory_space<vmem>>, vector<16xi32>,
        %gather3A = tpu.vector_load_idx %arg24[%get3A_108] : memref<144xi32, #tpu.memory_space<vmem>>[vector<16xi32>], vector<16xi32>,
        %shift_left3A = arith.constant 11 : i32
        %shift_left3A_109 = vector.broadcast %shift_left3A : i32 to vector<16xi32>
        %shift_left3A_110 = arith.shli %gather3A, %shift_left3A_109 : vector<16xi32>
        %add3A_111 = arith.addi %broadcast_in_dim3A_103, %shift_left3A_110 : vector<16xi32>
        %add3A_112 = arith.constant 128 : i32
        %add3A_113 = arith.addi %add3A_112, %mul3A_101 : i32
        %multiple_of3A_114 = tpu.assume_multiple %add3A_113, 8 : i32
        %get3A_115 = arith.index_cast %multiple_of3A_114 : i32 to index
        %get3A_116 = tpu.vector_load %arg19[%get3A_115] {strides = array<i32>} : memref<1536xi32, #tpu.memory_space<vmem>>, vector<16xi32>,
        %gather3A_117 = tpu.vector_load_idx %arg24[%get3A_116] : memref<144xi32, #tpu.memory_space<vmem>>[vector<16xi32>], vector<16xi32>,
        %shift_left3A_118 = arith.constant 10 : i32
        %shift_left3A_119 = vector.broadcast %shift_left3A_118 : i32 to vector<16xi32>
        %shift_left3A_120 = arith.shli %gather3A_117, %shift_left3A_119 : vector<16xi32>
        %add3A_121 = arith.addi %add3A_111, %shift_left3A_120 : vector<16xi32>
        %add3A_122 = arith.constant 256 : i32
        %add3A_123 = arith.addi %add3A_122, %mul3A_101 : i32
        %multiple_of3A_124 = tpu.assume_multiple %add3A_123, 8 : i32
        %get3A_125 = arith.index_cast %multiple_of3A_124 : i32 to index
        %get3A_126 = tpu.vector_load %arg19[%get3A_125] {strides = array<i32>} : memref<1536xi32, #tpu.memory_space<vmem>>, vector<16xi32>,
        %gather3A_127 = tpu.vector_load_idx %arg24[%get3A_126] : memref<144xi32, #tpu.memory_space<vmem>>[vector<16xi32>], vector<16xi32>,
        %shift_left3A_128 = arith.constant 9 : i32
        %shift_left3A_129 = vector.broadcast %shift_left3A_128 : i32 to vector<16xi32>
        %shift_left3A_130 = arith.shli %gather3A_127, %shift_left3A_129 : vector<16xi32>
        %add3A_131 = arith.addi %add3A_121, %shift_left3A_130 : vector<16xi32>
        %add3A_132 = arith.constant 384 : i32
        %add3A_133 = arith.addi %add3A_132, %mul3A_101 : i32
        %multiple_of3A_134 = tpu.assume_multiple %add3A_133, 8 : i32
        %get3A_135 = arith.index_cast %multiple_of3A_134 : i32 to index
        %get3A_136 = tpu.vector_load %arg19[%get3A_135] {strides = array<i32>} : memref<1536xi32, #tpu.memory_space<vmem>>, vector<16xi32>,
        %gather3A_137 = tpu.vector_load_idx %arg24[%get3A_136] : memref<144xi32, #tpu.memory_space<vmem>>[vector<16xi32>], vector<16xi32>,
        %shift_left3A_138 = arith.constant 8 : i32
        %shift_left3A_139 = vector.broadcast %shift_left3A_138 : i32 to vector<16xi32>
        %shift_left3A_140 = arith.shli %gather3A_137, %shift_left3A_139 : vector<16xi32>
        %add3A_141 = arith.addi %add3A_131, %shift_left3A_140 : vector<16xi32>
        %add3A_142 = arith.constant 512 : i32
        %add3A_143 = arith.addi %add3A_142, %mul3A_101 : i32
        %multiple_of3A_144 = tpu.assume_multiple %add3A_143, 8 : i32
        %get3A_145 = arith.index_cast %multiple_of3A_144 : i32 to index
        %get3A_146 = tpu.vector_load %arg19[%get3A_145] {strides = array<i32>} : memref<1536xi32, #tpu.memory_space<vmem>>, vector<16xi32>,
        %gather3A_147 = tpu.vector_load_idx %arg24[%get3A_146] : memref<144xi32, #tpu.memory_space<vmem>>[vector<16xi32>], vector<16xi32>,
        %shift_left3A_148 = arith.constant 7 : i32
        %shift_left3A_149 = vector.broadcast %shift_left3A_148 : i32 to vector<16xi32>
        %shift_left3A_150 = arith.shli %gather3A_147, %shift_left3A_149 : vector<16xi32>
        %add3A_151 = arith.addi %add3A_141, %shift_left3A_150 : vector<16xi32>
        %add3A_152 = arith.constant 640 : i32
        %add3A_153 = arith.addi %add3A_152, %mul3A_101 : i32
        %multiple_of3A_154 = tpu.assume_multiple %add3A_153, 8 : i32
        %get3A_155 = arith.index_cast %multiple_of3A_154 : i32 to index
        %get3A_156 = tpu.vector_load %arg19[%get3A_155] {strides = array<i32>} : memref<1536xi32, #tpu.memory_space<vmem>>, vector<16xi32>,
        %gather3A_157 = tpu.vector_load_idx %arg24[%get3A_156] : memref<144xi32, #tpu.memory_space<vmem>>[vector<16xi32>], vector<16xi32>,
        %shift_left3A_158 = arith.constant 6 : i32
        %shift_left3A_159 = vector.broadcast %shift_left3A_158 : i32 to vector<16xi32>
        %shift_left3A_160 = arith.shli %gather3A_157, %shift_left3A_159 : vector<16xi32>
        %add3A_161 = arith.addi %add3A_151, %shift_left3A_160 : vector<16xi32>
        %add3A_162 = arith.constant 768 : i32
        %add3A_163 = arith.addi %add3A_162, %mul3A_101 : i32
        %multiple_of3A_164 = tpu.assume_multiple %add3A_163, 8 : i32
        %get3A_165 = arith.index_cast %multiple_of3A_164 : i32 to index
        %get3A_166 = tpu.vector_load %arg19[%get3A_165] {strides = array<i32>} : memref<1536xi32, #tpu.memory_space<vmem>>, vector<16xi32>,
        %gather3A_167 = tpu.vector_load_idx %arg24[%get3A_166] : memref<144xi32, #tpu.memory_space<vmem>>[vector<16xi32>], vector<16xi32>,
        %shift_left3A_168 = arith.constant 5 : i32
        %shift_left3A_169 = vector.broadcast %shift_left3A_168 : i32 to vector<16xi32>
        %shift_left3A_170 = arith.shli %gather3A_167, %shift_left3A_169 : vector<16xi32>
        %add3A_171 = arith.addi %add3A_161, %shift_left3A_170 : vector<16xi32>
        %add3A_172 = arith.constant 896 : i32
        %add3A_173 = arith.addi %add3A_172, %mul3A_101 : i32
        %multiple_of3A_174 = tpu.assume_multiple %add3A_173, 8 : i32
        %get3A_175 = arith.index_cast %multiple_of3A_174 : i32 to index
        %get3A_176 = tpu.vector_load %arg19[%get3A_175] {strides = array<i32>} : memref<1536xi32, #tpu.memory_space<vmem>>, vector<16xi32>,
        %gather3A_177 = tpu.vector_load_idx %arg24[%get3A_176] : memref<144xi32, #tpu.memory_space<vmem>>[vector<16xi32>], vector<16xi32>,
        %shift_left3A_178 = arith.constant 4 : i32
        %shift_left3A_179 = vector.broadcast %shift_left3A_178 : i32 to vector<16xi32>
        %shift_left3A_180 = arith.shli %gather3A_177, %shift_left3A_179 : vector<16xi32>
        %add3A_181 = arith.addi %add3A_171, %shift_left3A_180 : vector<16xi32>
        %add3A_182 = arith.constant 1024 : i32
        %add3A_183 = arith.addi %add3A_182, %mul3A_101 : i32
        %multiple_of3A_184 = tpu.assume_multiple %add3A_183, 8 : i32
        %get3A_185 = arith.index_cast %multiple_of3A_184 : i32 to index
        %get3A_186 = tpu.vector_load %arg19[%get3A_185] {strides = array<i32>} : memref<1536xi32, #tpu.memory_space<vmem>>, vector<16xi32>,
        %gather3A_187 = tpu.vector_load_idx %arg24[%get3A_186] : memref<144xi32, #tpu.memory_space<vmem>>[vector<16xi32>], vector<16xi32>,
        %shift_left3A_188 = arith.constant 3 : i32
        %shift_left3A_189 = vector.broadcast %shift_left3A_188 : i32 to vector<16xi32>
        %shift_left3A_190 = arith.shli %gather3A_187, %shift_left3A_189 : vector<16xi32>
        %add3A_191 = arith.addi %add3A_181, %shift_left3A_190 : vector<16xi32>
        %add3A_192 = arith.constant 1152 : i32
        %add3A_193 = arith.addi %add3A_192, %mul3A_101 : i32
        %multiple_of3A_194 = tpu.assume_multiple %add3A_193, 8 : i32
        %get3A_195 = arith.index_cast %multiple_of3A_194 : i32 to index
        %get3A_196 = tpu.vector_load %arg19[%get3A_195] {strides = array<i32>} : memref<1536xi32, #tpu.memory_space<vmem>>, vector<16xi32>,
        %gather3A_197 = tpu.vector_load_idx %arg24[%get3A_196] : memref<144xi32, #tpu.memory_space<vmem>>[vector<16xi32>], vector<16xi32>,
        %shift_left3A_198 = arith.constant 2 : i32
        %shift_left3A_199 = vector.broadcast %shift_left3A_198 : i32 to vector<16xi32>
        %shift_left3A_200 = arith.shli %gather3A_197, %shift_left3A_199 : vector<16xi32>
        %add3A_201 = arith.addi %add3A_191, %shift_left3A_200 : vector<16xi32>
        %add3A_202 = arith.constant 1280 : i32
        %add3A_203 = arith.addi %add3A_202, %mul3A_101 : i32
        %multiple_of3A_204 = tpu.assume_multiple %add3A_203, 8 : i32
        %get3A_205 = arith.index_cast %multiple_of3A_204 : i32 to index
        %get3A_206 = tpu.vector_load %arg19[%get3A_205] {strides = array<i32>} : memref<1536xi32, #tpu.memory_space<vmem>>, vector<16xi32>,
        %gather3A_207 = tpu.vector_load_idx %arg24[%get3A_206] : memref<144xi32, #tpu.memory_space<vmem>>[vector<16xi32>], vector<16xi32>,
        %shift_left3A_208 = arith.constant 1 : i32
        %shift_left3A_209 = vector.broadcast %shift_left3A_208 : i32 to vector<16xi32>
        %shift_left3A_210 = arith.shli %gather3A_207, %shift_left3A_209 : vector<16xi32>
        %add3A_211 = arith.addi %add3A_201, %shift_left3A_210 : vector<16xi32>
        %add3A_212 = arith.constant 1408 : i32
        %add3A_213 = arith.addi %add3A_212, %mul3A_101 : i32
        %multiple_of3A_214 = tpu.assume_multiple %add3A_213, 8 : i32
        %get3A_215 = arith.index_cast %multiple_of3A_214 : i32 to index
        %get3A_216 = tpu.vector_load %arg19[%get3A_215] {strides = array<i32>} : memref<1536xi32, #tpu.memory_space<vmem>>, vector<16xi32>,
        %gather3A_217 = tpu.vector_load_idx %arg24[%get3A_216] : memref<144xi32, #tpu.memory_space<vmem>>[vector<16xi32>], vector<16xi32>,
        %shift_left3A_218 = arith.constant 0 : i32
        %shift_left3A_219 = vector.broadcast %shift_left3A_218 : i32 to vector<16xi32>
        %shift_left3A_220 = arith.shli %gather3A_217, %shift_left3A_219 : vector<16xi32>
        %add3A_221 = arith.addi %add3A_211, %shift_left3A_220 : vector<16xi32>
        %multiple_of3A_222 = tpu.assume_multiple %mul3A_101, 8 : i32
        %add3A_223 = vector.broadcast %mul3A_101 : i32 to vector<16xi32>
        %add3A_224 = arith.addi %add3A_223, %iota3A : vector<16xi32>
        %mul3A_225 = arith.constant 32 : i32
        %mul3A_226 = vector.broadcast %mul3A_225 : i32 to vector<16xi32>
        %mul3A_227 = arith.muli %add3A_224, %mul3A_226 : vector<16xi32>
        %shift_right_arithmetic3A_228 = arith.constant 7 : i32
        %shift_right_arithmetic3A_229 = vector.broadcast %shift_right_arithmetic3A_228 : i32 to vector<16xi32>
        %shift_right_arithmetic3A_230 = arith.shrsi %add3A_221, %shift_right_arithmetic3A_229 : vector<16xi32>
        %add3A_231 = arith.addi %mul3A_227, %shift_right_arithmetic3A_230 : vector<16xi32>
        %swap3A_232 = arith.index_cast %multiple_of3A_222 : i32 to index
        %swap3A_233 = tpu.vector_load %arg22[%swap3A_232] {strides = array<i32>} : memref<128xi32, #tpu.memory_space<vmem>>, vector<16xi32>,
        tpu.vector_store %arg22[%swap3A_232], %add3A_231 {strides = array<i32>} : memref<128xi32, #tpu.memory_space<vmem>>, vector<16xi32>,
        %and3A_234 = arith.constant 127 : i32
        %and3A_235 = vector.broadcast %and3A_234 : i32 to vector<16xi32>
        %and3A_236 = arith.andi %add3A_221, %and3A_235 : vector<16xi32>
        %swap3A_237 = arith.index_cast %multiple_of3A_222 : i32 to index
        %swap3A_238 = tpu.vector_load %arg21[%swap3A_237] {strides = array<i32>} : memref<128xi32, #tpu.memory_space<vmem>>, vector<16xi32>,
        tpu.vector_store %arg21[%swap3A_237], %and3A_236 {strides = array<i32>} : memref<128xi32, #tpu.memory_space<vmem>>, vector<16xi32>,
        %scan3A_239 = arith.constant 0 : i32
        scf.yield %scan3A_239 : i32
      }
      %scan3A_83 = arith.constant 8 : i32
      %dma_start3A_84 = arith.constant 0 : i32
      %dma_start3A_85 = arith.constant 0 : i32
      %dma_start3A_86 = tpu.memref_slice %arg11[%dma_start3A_84, %dma_start3A_85] : memref<4096x128xf32, #tpu.memory_space<hbm>> -> memref<4096x128xf32, #tpu.memory_space<hbm>>
      tpu.enqueue_indirect_dma source(%dma_start3A_86 : memref<4096x128xf32, #tpu.memory_space<hbm>>) target(%arg23 : memref<128x128xf32, #tpu.memory_space<vmem>>) offsets(%arg22 : memref<128xi32, #tpu.memory_space<vmem>>) semaphore(%arg26 : memref<!tpu.dma_semaphore, #tpu.memory_space<semaphore_mem>>)
      %dma_wait3A_87 = arith.constant 0 : i32
      %dma_wait3A_88 = arith.constant 0 : i32
      %dma_wait3A_89 = tpu.memref_slice %arg11[%dma_wait3A_87, %dma_wait3A_88] : memref<4096x128xf32, #tpu.memory_space<hbm>> -> memref<4096x128xf32, #tpu.memory_space<hbm>>
      tpu.wait_indirect_dma semaphore(%arg26 : memref<!tpu.dma_semaphore, #tpu.memory_space<semaphore_mem>>) src(%dma_wait3A_89 : memref<4096x128xf32, #tpu.memory_space<hbm>>) dst(%arg23 : memref<128x128xf32, #tpu.memory_space<vmem>>)
      %scan3A_90 = arith.constant 0 : i32
      %scan3A_91 = arith.constant 0 : i32
      %scan3A_92 = arith.constant 8 : i32
      %scan3A_93 = arith.addi %scan3A_91, %scan3A_92 : i32
      %scan3A_94 = arith.constant 1 : i32
      %scan3A_95 = scf.for %scan3A_98 = %scan3A_91 to %scan3A_93 step %scan3A_94 iter_args(%scan3A_99 = %scan3A_90) -> (i32)  : i32 {
        %mul3A_100 = arith.constant 16 : i32
        %mul3A_101 = arith.muli %scan3A_98, %mul3A_100 : i32
        %multiple_of3A_102 = tpu.assume_multiple %mul3A_101, 8 : i32
        %add3A_103 = vector.broadcast %mul3A_101 : i32 to vector<16xi32>
        %add3A_104 = arith.addi %add3A_103, %iota3A : vector<16xi32>
        %get3A_105 = arith.index_cast %multiple_of3A_102 : i32 to index
        %get3A_106 = tpu.vector_load %arg21[%get3A_105] {strides = array<i32>} : memref<128xi32, #tpu.memory_space<vmem>>, vector<16xi32>,
        %gather3A = tpu.vector_load_idx %arg23[%add3A_104, %get3A_106] : memref<128x128xf32, #tpu.memory_space<vmem>>[vector<16xi32>, vector<16xi32>], vector<16xf32>,
        %swap3A_107 = arith.index_cast %multiple_of3A_102 : i32 to index
        %swap3A_108 = tpu.vector_load %arg25[%swap3A_107] {strides = array<i32>} : memref<128xf32, #tpu.memory_space<vmem>>, vector<16xf32>,
        tpu.vector_store %arg25[%swap3A_107], %gather3A {strides = array<i32>} : memref<128xf32, #tpu.memory_space<vmem>>, vector<16xf32>,
        %scan3A_109 = arith.constant 0 : i32
        scf.yield %scan3A_109 : i32
      }
      %scan3A_96 = arith.constant 8 : i32
      "tpu.region"() ({
        %run_scoped3A = tpu.sem_alloc : memref<!tpu.dma_semaphore, #tpu.memory_space<semaphore_mem>>
        %dma_start3A_98 = arith.constant 0 : i32
        %dma_start3A_99 = tpu.memref_slice %arg12[%add3A_14, %dma_start3A_98] : memref<512x128xf32, #tpu.memory_space<hbm>> -> memref<1x128xf32, #tpu.memory_space<hbm>>
        %dma_start3A_100 = tpu.memref_squeeze %dma_start3A_99 : memref<1x128xf32, #tpu.memory_space<hbm>> -> memref<128xf32, #tpu.memory_space<hbm>>
        %dma_start3A_101 = arith.constant 0 : i32
        %dma_start3A_102 = tpu.memref_slice %arg12[%add3A_14, %dma_start3A_101] : memref<512x128xf32, #tpu.memory_space<hbm>> -> memref<1x128xf32, #tpu.memory_space<hbm>>
        %dma_start3A_103 = tpu.memref_squeeze %dma_start3A_102 : memref<1x128xf32, #tpu.memory_space<hbm>> -> memref<128xf32, #tpu.memory_space<hbm>>
        tpu.enqueue_dma source(%arg25 : memref<128xf32, #tpu.memory_space<vmem>>) target(%dma_start3A_103 : memref<128xf32, #tpu.memory_space<hbm>>) target_semaphore(%run_scoped3A : memref<!tpu.dma_semaphore, #tpu.memory_space<semaphore_mem>>)
        %dma_wait3A_104 = arith.constant 0 : i32
        %dma_wait3A_105 = tpu.memref_slice %arg12[%add3A_14, %dma_wait3A_104] : memref<512x128xf32, #tpu.memory_space<hbm>> -> memref<1x128xf32, #tpu.memory_space<hbm>>
        %dma_wait3A_106 = tpu.memref_squeeze %dma_wait3A_105 : memref<1x128xf32, #tpu.memory_space<hbm>> -> memref<128xf32, #tpu.memory_space<hbm>>
        %dma_wait3A_107 = arith.constant 0 : i32
        %dma_wait3A_108 = tpu.memref_slice %arg12[%add3A_14, %dma_wait3A_107] : memref<512x128xf32, #tpu.memory_space<hbm>> -> memref<1x128xf32, #tpu.memory_space<hbm>>
        %dma_wait3A_109 = tpu.memref_squeeze %dma_wait3A_108 : memref<1x128xf32, #tpu.memory_space<hbm>> -> memref<128xf32, #tpu.memory_space<hbm>>
        tpu.wait_dma2 semaphore(%run_scoped3A : memref<!tpu.dma_semaphore, #tpu.memory_space<semaphore_mem>>) src(%arg25 : memref<128xf32, #tpu.memory_space<vmem>>) dst(%dma_wait3A_109 : memref<128xf32, #tpu.memory_space<hbm>>)
        tpu.yield
      }) : () -> ()
      %scan3A_97 = arith.constant 0 : i32
      scf.yield %scan3A_97 : i32
    }
    %scan3A_9 = arith.constant 16 : i32
    return
  }
}

</mosaic_0001>

<sc_bundles>
// kernel: kernel.3.cloned.1.call-start
scs
__scs_entry_jumppad:
0x0: {  	(pc) =	sbr.rel $0x88, $3  }
0x1: {  	(tag) =	ssettag $0x0;
	lr =	simm.s32 $0x1  }
0x2: {  	[smem:$0x3F9A] =	sst lr;
	_ =	strace $0xD0000000  }
0x3: {  	_ = 	snop  }
0x4: {  	_ = 	snop  }
0x5: {  	_ = 	snop  }
0x6: {  	_ = 	snop  }
0x7: {  	_ = 	snop  }
__scs_overlays_trampoline_lowered:
0x8: {  	[smem:$0x3FA9] =	sst s0  }
0x9: {  	[smem:$0x3FAA] =	sst s1  }
0xa: {  	[smem:$0x3FAB] =	sst s2  }
0xb: {  	[smem:$0x3FAC] =	sst s3  }
0xc: {  	[smem:$0x3FAD] =	sst s4  }
0xd: {  	[smem:$0x3FAE] =	sst s5  }
0xe: {  	[smem:$0x3FAF] =	sst s6  }
0xf: {  	[smem:$0x3FB0] =	sst s7  }
0x10: {  	[smem:$0x3FB1] =	sst s8  }
0x11: {  	[smem:$0x3FB2] =	sst s9;
	s0 =	simm.s32 @!p0 $0x0  }
0x12: {  	s1 =	sld [smem:$0x3F98];
	s0 =	simm.s32 @p0 $0x1  }
0x13: {  	[smem:$0x3FB3] =	sst s0;
	s0 =	simm.s32 @!p1 $0x0  }
0x14: {  	s2 =	sld [smem:$0x3F97];
	s0 =	simm.s32 @p1 $0x1  }
0x15: {  	[smem:$0x3FB4] =	sst s0;
	s0 =	simm.s32 @!p2 $0x0  }
0x16: {  	s3 =	sld [smem:$0x3FDB];
	s0 =	simm.s32 @p2 $0x1  }
0x17: {  	s4 =	simm.s32 $0x1BF5;
	[smem:$0x3FB6] =	sst s0  }
0x18: {  	s0 =	sld [smem:$0x3F99];
	_ =	swait.ge [sflag:s4], $0x0  }
0x19: {  	s7 =	sld [smem:$0x3F9A]  }
0x1a: {  	s8 =	sadd.s32 $0xFFFFE003, lr  }
0x1b: {  	s9 =	sadd.s32 $0xFFFFFEF7, lr;
	s5 =	simm.s32 $0xFFFFFFFF;
	p2 =	slt.u32 s8, $0xFFFFF086  }
0x1c: {  	p1 =	slt.u32 s9, $0xF7A;
	s5 =	simm.s32 @!p2 $0x0  }
0x1d: {  	s5 =	simm.s32 @p1 $0x1;
	p0 =	seq.s32 s7, s2  }
0x1e: {  	s7 =	smul.u32 @!p0 $0xF7A, s2;
	p2 =	seq.s32 @!p0 s5, $0x0  }
0x1f: {  	s9 =	smul.u32 $0xF7A, s1;
	s8 =	simm.s32 @!p0 $0x1BF5;
	p2 =	por !p2, p0  }
0x20: {  	[sflag:s8] =	ssyncset.s32 @!p0 $0xFFFFF086;
	s6 =	sadd.s32 @!p0 s3, s7;
	s7 =	simm.s32 @!p0 $0x108  }
0x21: {  	s3 =	sadd.s32 s3, s9;
	s6 =	sadd.s32 @!p0 $0x88, s6;
	s7 =	simm.s32 @p2 $0x1082  }
0x22: {  	[simem:s7], [sflag:s8] =	dma.local @!p0 [hbm:s6], $0xF7A  }
0x23: {  	s9 =	sor.u32 $0xD0000000, s2;
	s6 =	simm.s32 $0x108;
	_ =	swait.ge @!p0 [sflag:s8], $0x0  }
0x24: {  	s3 =	sadd.s32 $0x88, s3;
	s6 =	simm.s32 @!p1 $0x1082;
	[sflag:s4] =	ssyncset.s32 $0xFFFFF086  }
0x25: {  	[simem:s6], [sflag:s4] =	dma.local [hbm:s3], $0xF7A  }
0x26: {  	[smem:$0x3F9A] =	sst s1;
	(tag) =	ssettag s2;
	_ =	strace s9  }
0x27: {  	s1 =	sld [smem:$0x3FAA]  }
0x28: {  	s2 =	sld [smem:$0x3FAB]  }
0x29: {  	s4 =	sld [smem:$0x3FAD]  }
0x2a: {  	p0 =	seq.s32 s5, $0x0;
	s5 =	sld [smem:$0x3FAE]  }
0x2b: {  	s6 =	sld [smem:$0x3FAF]  }
0x2c: {  	s7 =	sld [smem:$0x3FB0]  }
0x2d: {  	s3 =	simm.s32 $0x108;
	s8 =	sld [smem:$0x3FB1]  }
0x2e: {  	s3 =	simm.s32 @!p0 $0x1082;
	s9 =	sld [smem:$0x3FB2]  }
0x2f: {  	lr =	sadd.s32 s0, s3;
	s0 =	sld [smem:$0x3FA9]  }
0x30: {  	s3 =	sld [smem:$0x3FAC]  }
0x31: {  	[smem:$0x3FB5] =	sst s10  }
0x32: {  	s10 =	sld [smem:$0x3FB3];
	_ =	sdelay $0x3  }
0x33: {  	p0 =	seq.s32 s10, $0x1;
	s10 =	sld [smem:$0x3FB5];
	_ =	sdelay $0x3  }
0x34: {  	[smem:$0x3FB5] =	sst s10  }
0x35: {  	s10 =	sld [smem:$0x3FB4];
	_ =	sdelay $0x3  }
0x36: {  	p1 =	seq.s32 s10, $0x1;
	s10 =	sld [smem:$0x3FB5];
	_ =	sdelay $0x3  }
0x37: {  	[smem:$0x3FB5] =	sst s10  }
0x38: {  	s10 =	sld [smem:$0x3FB6]  }
0x39: {  	_ = 	snop;
	(pc) =	sbr.ind lr, $3  }
0x3a: {  	_ = 	snop  }
0x3b: {  	_ = 	snop  }
0x3c: {  	p2 =	seq.s32 s10, $0x1;
	s10 =	sld [smem:$0x3FB5]  }
0x3d: {  	_ =	shalt  }
0x3e: {  	_ =	shalt  }
0x3f: {  	_ =	shalt  }
0x40: {  	_ =	shalt  }
0x41: {  	_ =	shalt  }
0x42: {  	_ =	shalt  }
0x43: {  	_ =	shalt  }
0x44: {  	_ =	shalt  }
0x45: {  	_ =	shalt  }
0x46: {  	_ =	shalt  }
0x47: {  	_ =	shalt  }
0x48: {  	_ =	shalt  }
0x49: {  	_ =	shalt  }
0x4a: {  	_ =	shalt  }
0x4b: {  	_ =	shalt  }
0x4c: {  	_ =	shalt  }
0x4d: {  	_ =	shalt  }
0x4e: {  	_ =	shalt  }
0x4f: {  	_ =	shalt  }
0x50: {  	_ =	shalt  }
0x51: {  	_ =	shalt  }
0x52: {  	_ =	shalt  }
0x53: {  	_ =	shalt  }
0x54: {  	_ =	shalt  }
0x55: {  	_ =	shalt  }
0x56: {  	_ =	shalt  }
0x57: {  	_ =	shalt  }
0x58: {  	_ =	shalt  }
0x59: {  	_ =	shalt  }
0x5a: {  	_ =	shalt  }
0x5b: {  	_ =	shalt  }
0x5c: {  	_ =	shalt  }
0x5d: {  	_ =	shalt  }
0x5e: {  	_ =	shalt  }
0x5f: {  	_ =	shalt  }
0x60: {  	_ =	shalt  }
0x61: {  	_ =	shalt  }
0x62: {  	_ =	shalt  }
0x63: {  	_ =	shalt  }
0x64: {  	_ =	shalt  }
0x65: {  	_ =	shalt  }
0x66: {  	_ =	shalt  }
0x67: {  	_ =	shalt  }
0x68: {  	_ =	shalt  }
0x69: {  	_ =	shalt  }
0x6a: {  	_ =	shalt  }
0x6b: {  	_ =	shalt  }
0x6c: {  	_ =	shalt  }
0x6d: {  	_ =	shalt  }
0x6e: {  	_ =	shalt  }
0x6f: {  	_ =	shalt  }
0x70: {  	_ =	shalt  }
0x71: {  	_ =	shalt  }
0x72: {  	_ =	shalt  }
0x73: {  	_ =	shalt  }
0x74: {  	_ =	shalt  }
0x75: {  	_ =	shalt  }
0x76: {  	_ =	shalt  }
0x77: {  	_ =	shalt  }
0x78: {  	_ =	shalt  }
0x79: {  	_ =	shalt  }
0x7a: {  	_ =	shalt  }
0x7b: {  	_ =	shalt  }
0x7c: {  	_ =	shalt  }
0x7d: {  	_ =	shalt  }
0x7e: {  	_ =	shalt  }
0x7f: {  	_ =	shalt  }
0x80: {  	_ =	shalt  }
0x81: {  	_ =	shalt  }
0x82: {  	_ =	shalt  }
0x83: {  	_ =	shalt  }
0x84: {  	_ =	shalt  }
0x85: {  	_ =	shalt  }
0x86: {  	_ =	shalt  }
0x87: {  	_ =	shalt  }
.Lfunc_end0:
.L_simem_size_0:
called_computation_lowered:
.L_overlay_start_0:
0x88: {  	s2 =	sld [smem:$0x3FD9]  }
0x89: {  	s3 =	sld [smem:$0x3FFE];
	_ =	sdelay $0x1  }
0x8a: {  	s1 =	srdreg.scid  }
0x8b: {  	s0 =	sand.u32 $0x1, s1  }
0x8c: {  	s17 =	sshll.u32 s0, $0xA;
	s2 =	sadd.s32 s3, s2  }
0x8d: {  	s2 =	sadd.s32 s2, s17  }
0x8e: {  	[smem:$0x3FC1] =	sst s2  }
0x8f: {  	_ = 	snop  }
0x90: {  	s2 =	sld [smem:$0x3FC4]  }
0x91: {  	s18 =	sld [smem:$0x3FD0];
	(tm) =	ssettm $0x1  }
0x92: {  	s4 =	sld [smem:$0x3FFB];
	_ =	sdelay $0x3  }
0x93: {  	_ =	strace s4  }
0x94: {  	s4 =	sld [smem:$0x3FFC];
	_ =	sdelay $0x3  }
0x95: {  	_ =	strace s4  }
0x96: {  	s4 =	sld [smem:$0x3FFD];
	_ =	sdelay $0x3  }
0x97: {  	_ =	strace s4  }
0x98: {  	_ =	strace $0x8FFFFFFF  }
0x99: {  	s19 =	sld [smem:$0x3FDB];
	_ =	sdelay $0x1  }
0x9a: {  	s5 =	simm.s32 $_scs_section_size  }
0x9b: {  	s6 =	simm.s32 $_size__tile_overlayer_lowered;
	s7 =	simm.s32 $_tile_overlayer_lowered  }
0x9c: {  	s22 =	simm.s32 $0x1BFF;
	s21 =	sshll.u32 s7, $0x1;
	s4 =	sadd.s32 s5, s19  }
0x9d: {  	s8 =	simm.s32 $0x0;
	s20 =	sshll.u32 s6, $0x1;
	s6 =	sadd.s32 s21, s4  }
0x9e: {  	[timem:s8], [sflag:s22] =	dma.local [hbm:s6], s20  }
0x9f: {  	_ =	swait.ge [sflag:s22], s20  }
0xa0: {  	s5 =	ssub.s32 $0x0, s20;
	[sflag:s22] =	ssyncset.done $0x0  }
0xa1: {  	[sflag:s22] =	ssyncadd.s32 s5;
	_ =	sdelay $0x1  }
0xa2: {  	s23 =	simm.s32 $0x1B8B  }
0xa3: {  	_ =	swait.ge [sflag:s23], $0x1  }
0xa4: {  	[sflag:s23] =	ssyncset.done $0x0  }
0xa5: {  	s25 =	simm.s32 $0x1B8E;
	s24 =	sld [smem:$0x3FFE];
	[sflag:s23] =	ssyncadd.s32 $0xFFFFFFFF  }
0xa6: {  	s26 =	simm.s32 $execute0_lowered;
	[smem:$0x3FD2] =	sst s25  }
0xa7: {  	s6 =	sshll.u32 s26, $0x1;
	_ =	strace $0x80000046;
	[dreg:$0x1] =	wrdreg $0xFFFFFFFF  }
0xa8: {  	s28 =	simm.s32 $_size_execute0_lowered;
	s4 =	sadd.s32 s4, s6;
	[dreg:$0x0] =	wrdreg $0x0  }
0xa9: {  	s6 =	sshll.u32 s28, $0x1;
	[dreg:$0x2] =	wrdreg s4  }
0xaa: {  	[dreg:$0x3] =	wrdreg s6  }
0xab: {  	[dreg:$0x4] =	wrdreg $0xC0  }
0xac: {  	_ =	task [dreg:s8], $0x5FFFF  }
0xad: {  	[dreg:$0x1] =	wrdreg $0xFFFFFFFF  }
0xae: {  	[dreg:$0x0] =	wrdreg $0x60  }
0xaf: {  	[dreg:$0x2] =	wrdreg s24  }
0xb0: {  	[dreg:$0x3] =	wrdreg s2  }
0xb1: {  	[dreg:$0x4] =	wrdreg s18  }
0xb2: {  	[dreg:$0x5] =	wrdreg $0x9  }
0xb3: {  	_ =	task.clear_ibuf [dreg:s8], $0x6FFFF;
	_ =	strace $0x90000046  }
0xb4: {  	s29 =	simm.s32 $0x9;
	_ =	strace $0x80000048  }
0xb5: {  	_ =	swait.ge [sflag:s29], $0x1  }
0xb6: {  	[sflag:s29] =	ssyncadd.s32 $0xFFFFFFFF  }
0xb7: {  	_ =	strace $0x90000048  }
0xb8: {  	_ =	sfence  }
0xb9: {  	s30 =	sld [smem:$0x0];
	_ =	sdelay $0x2  }
0xba: {  	s31 =	sshll.u32 s1, $0xD;
	s1 =	sshrl.u32 s1, $0x2  }
0xbb: {  	s3 =	sand.u32 $0x4000, s31;
	s1 =	sadd.s32 s1, s30  }
0xbc: {  	s0 =	sor.u32 s3, s0;
	s1 =	sshll.u32 s1, $0x11  }
0xbd: {  	s0 =	sor.u32 s1, s0  }
0xbe: {  	s0 =	sadd.s32 $0x8F2B, s0  }
0xbf: {  	[sflag:s0] =	ssyncadd.remote.s32 $0x1  }
0xc0: {  	_ =	sfence.sel $0xFFFF  }
0xc1: {  	[dreg:$0x0] =	wrdreg $0xFFFFFFFF;
	(pc) =	sbr.abs _section_cstart, $3  }
0xc2: {  	[dreg:$0x1] =	wrdreg $0xFFFFFFFF  }
0xc3: {  	_ =	task.clear_ibuf [dreg:s8], $0x2FFFF;
	_ =	strace $0x9FFFFFFF  }
0xc4: {  	(tm) =	ssettm $0x7FFFFFFF  }
0xc5: {  	_ =	shalt  }
tec
execute0_lowered:
.L_overlay_start_1:
0x0: {  	(tag) =	ssettag $0x1  }
0x1: {  	s3 =	rddreg [dreg:$0x0]  }
0x2: {  	s0 =	rddreg [dreg:$0x2];
	s1 =	simm.s32 $0x0;
	s21 =	srdreg.scid  }
0x3: {  	s4 =	stileid.u32;
	[smem:$0x7FF] =	sst s1;
	s15 =	sadd.s32 $0x2E00, s3  }
0x4: {  	s16 =	sadd.s32 $0x2600, s3;
	_ =	strace $0x80000047;
	[dreg:$0x4] =	wrdreg s15  }
0x5: {  	s28 =	simm.s32 $0x17A80;
	s17 =	sadd.s32 $0x2A00, s3;
	[dreg:$0x5] =	wrdreg s16  }
0x6: {  	s29 =	simm.s32 $0x17B00;
	s18 =	sadd.s32 $0x400, s3;
	[dreg:$0x6] =	wrdreg s17  }
0x7: {  	s30 =	simm.s32 $0x1;
	s19 =	sadd.s32 $0x200, s3;
	[dreg:$0x7] =	wrdreg s18  }
0x8: {  	s31 =	simm.s32 $0x1BB00;
	s20 =	sadd.s32 $0x600, s3;
	[dreg:$0x8] =	wrdreg s19  }
0x9: {  	s2 =	sadd.s32 $0x3200, s3;
	s1 =	sand.u32 $0x1, s21;
	[dreg:$0x9] =	wrdreg s20  }
0xa: {  	s22 =	sshll.u32 s4, $0x1;
	s3 =	sadd.s32 $0x13200, s3;
	[dreg:$0xa] =	wrdreg s2  }
0xb: {  	s4 =	sshll.u32 s4, $0x7;
	s21 =	simm.s32 $0x6000;
	[dreg:$0xb] =	wrdreg s3  }
0xc: {  	s23 =	ssub.s32 $0x2, s1;
	s13 =	sor.u32 s1, s22;
	s1 =	sshll.u32 s1, $0x6  }
0xd: {  	s18 =	simm.s32 $0x2;
	s2 =	sshll.u32 s13, $0x4;
	s5 =	sshrl.u32 s23, $0x1  }
.Ltmp0:
0xe: {  	s1 =	sor.u32 s1, s4;
	s25 =	sadd.s32 $0x1, s13;
	(pc) =	sbr.rel .LBB2_1-.Ltmp0, $4  }
0xf: {  	v2 =	vlaneseq.u32;
	s2 =	sand.u32 $0x70, s2;
	s3 =	ssub.s32 s23, s5;
	s24 =	sshrl.u32 s1, $0x2  }
0x10: {  	vm0 =	vmxor vm0, vm0;
	v4 =	vmul.u32 $0xFFFFFFFF, v2;
	[dreg:$0xc] =	wrdreg s25;
	s25 =	simm.s32 $0x7A00;
	s26 =	smax.u32 s3, $0x1  }
0x11: {  	v3 =	vimm.s32 $0x0;
	vm1 =	vmmov $0x1f;
	v1 =	vmul.u32 $0x20, v2;
	s14 =	sadd.s32 s0, s2;
	s0 =	sor.u32 $0x4000, s24;
	[dreg:$0xd] =	wrdreg s26  }
0x12: {  	v0 =	vmul.u32 $0x1000, v2;
	v2 =	vmul.u32 $0x80, v2;
	v4 =	vadd.s32 $0x4, v4;
	s1 =	simm.s32 $0x0;
	[dreg:$0xe] =	wrdreg s0;
	s26 =	simm.s32 $0x80  }
.LBB2_25:
0x13: {  	s1 =	rddreg [dreg:$0xf]  }
0x14: {  	s0 =	rddreg [dreg:$0xd];
	s1 =	sadd.s32 $0x1, s1  }
0x15: {  	p0 =	sne.s32 s1, s0  }
.Ltmp1:
0x16: {  	_ = 	snop;
	(pc) =	sbr.rel @!p0 .LBB2_26-.Ltmp1, $1  }
0x17: {  	_ =	sdelay $0x3  }
.LBB2_1:
0x18: {  	[dreg:$0xf] =	wrdreg s1  }
0x19: {  	s9 =	simm.s32 $0x0;
	s0 =	rddreg [dreg:$0x4]  }
0x1a: {  	[tilespmem:s9], [sflag:$0x2] =	stream.linear.gather [hbm4b:s0+s9], $0x2000, $0x38;
	[tilespmem:$0x1BC80] =	vst v63  }
0x1b: {  	_ =	swait.ge [sflag:s18], $0x2000  }
0x1c: {  	[sflag:s18] =	ssyncset.done $0x0  }
0x1d: {  	s2 =	simm.s32 $0x2000;
	s10 =	rddreg [dreg:$0x5];
	[sflag:s18] =	ssyncadd.s32 $0xFFFFE000  }
0x1e: {  	[tilespmem:s2], [sflag:$0x2] =	stream.linear.gather [hbm4b:s10+s9], $0x2000, $0x38;
	[tilespmem:$0x1BC80] =	vst v63  }
0x1f: {  	_ =	swait.ge [sflag:s18], $0x2000  }
0x20: {  	[sflag:s18] =	ssyncset.done $0x0  }
0x21: {  	s12 =	simm.s32 $0x4000;
	s11 =	rddreg [dreg:$0x6];
	[sflag:s18] =	ssyncadd.s32 $0xFFFFE000  }
0x22: {  	[tilespmem:s12], [sflag:$0x2] =	stream.linear.gather [hbm4b:s11+s9], $0x2000, $0x38;
	[tilespmem:$0x1BC80] =	vst v63  }
0x23: {  	_ =	swait.ge [sflag:s18], $0x2000  }
0x24: {  	[sflag:s18] =	ssyncset.done $0x0  }
0x25: {  	s15 =	rddreg [dreg:$0x7];
	[sflag:s18] =	ssyncadd.s32 $0xFFFFE000  }
0x26: {  	[tilespmem:s21], [sflag:$0x2] =	stream.linear.gather [hbm4b:s15+s9], $0x800, $0x38;
	[tilespmem:$0x1BC80] =	vst v63  }
0x27: {  	_ =	swait.ge [sflag:s18], $0x800  }
0x28: {  	[sflag:s18] =	ssyncset.done $0x0  }
0x29: {  	s17 =	simm.s32 $0x6800;
	s16 =	rddreg [dreg:$0x8];
	[sflag:s18] =	ssyncadd.s32 $0xFFFFF800  }
0x2a: {  	[tilespmem:s17], [sflag:$0x2] =	stream.linear.gather [hbm4b:s16+s9], $0x600, $0x38;
	[tilespmem:$0x1BC80] =	vst v63  }
0x2b: {  	_ =	swait.ge [sflag:s18], $0x600  }
0x2c: {  	[sflag:s18] =	ssyncset.done $0x0  }
0x2d: {  	[sflag:s18] =	ssyncadd.s32 $0xFFFFFA00  }
0x2e: {  	s20 =	simm.s32 $0x6E00;
	s19 =	rddreg [dreg:$0x0]  }
0x2f: {  	[tilespmem:s20], [sflag:$0x2] =	stream.linear.gather [hbm4b:s19+s9], $0x600, $0x38;
	[tilespmem:$0x1BC80] =	vst v63  }
0x30: {  	_ =	swait.ge [sflag:s18], $0x600  }
0x31: {  	[sflag:s18] =	ssyncset.done $0x0  }
0x32: {  	[sflag:s18] =	ssyncadd.s32 $0xFFFFFA00  }
0x33: {  	s23 =	simm.s32 $0x7400;
	s22 =	rddreg [dreg:$0x1]  }
0x34: {  	[tilespmem:s23], [sflag:$0x2] =	stream.linear.gather [hbm4b:s22+s9], $0x600, $0x38;
	[tilespmem:$0x1BC80] =	vst v63  }
0x35: {  	_ =	swait.ge [sflag:s18], $0x600  }
0x36: {  	[sflag:s18] =	ssyncset.done $0x0  }
0x37: {  	s24 =	rddreg [dreg:$0x9];
	[sflag:s18] =	ssyncadd.s32 $0xFFFFFA00  }
0x38: {  	[tilespmem:s25], [sflag:$0x2] =	stream.linear.gather [hbm4b:s24+s9], $0x10000, $0x38;
	[tilespmem:$0x1BC80] =	vst v63  }
0x39: {  	_ =	swait.ge [sflag:s18], $0x10000  }
0x3a: {  	[sflag:s18] =	ssyncset.done $0x0;
	s17 =	rddreg [dreg:$0xe]  }
0x3b: {  	s20 =	simm.s32 $0x0;
	s15 =	rddreg [dreg:$0xc];
	[sflag:s18] =	ssyncadd.s32 $0xFFFF0000  }
.LBB2_2:
0x3c: {  	s0 =	sshll.u32 s20, $0x5  }
0x3d: {  	s0 =	sor.u32 s13, s0  }
0x3e: {  	s22 =	sshll.u32 s0, $0x4  }
0x3f: {  	s0 =	sand.u32 $0x3FFFFFF0, s22  }
0x40: {  	s24 =	simm.s32 $0x2000;
	v5 =	vld [tilespmem:s0+$0x0]  }
0x41: {  	v6 =	vld [tilespmem:s24+$0x0]  }
0x42: {  	v7 =	vld [tilespmem:s17+$0x0];
	p5 =	sne.s32 s15, $0x1  }
.Ltmp2:
0x43: {  	_ = 	snop;
	(pc) =	sbr.rel @!p5 .LBB2_3-.Ltmp2, $4  }
0x44: {  	_ = 	snop  }
0x45: {  	s23 =	simm.f32 $-1.000000000e+00;
	s1 =	simm.s32 $0x1;
	p0 =	por $0x0, $0x0;
	v8 =	vadd.s32 v0, v5  }
0x46: {  	p1 =	por $0x0, $0x0;
	p2 =	por $0x0, $0x0;
	p3 =	por $0x0, $0x0;
	v5 =	vadd.s32 v6, v8  }
0x47: {  	p4 =	por $0x0, $0x0;
	s24 =	simm.s32 $0x0;
	s0 =	simm.s32 $0x2010;
	v6 =	vadd.s32 v7, v5  }
0x48: {  	v7 =	vld [tilespmem:s0+$0x0];
	s0 =	sadd.s32 $0xFFFFFFF0, s17  }
0x49: {  	p5 =	sne.s32 s15, $0x2;
	v9 =	vld [tilespmem:s0+$0x0]  }
.Ltmp3:
0x4a: {  	_ = 	snop;
	(pc) =	sbr.rel @!p5 .LBB2_5-.Ltmp3, $3  }
0x4b: {  	_ =	sdelay $0x1  }
0x4c: {  	v5 =	vld.idx.msk [tilespmem:v6+s25+$0x0], $0xffff;
	v6 =	vadd.s32 v7, v8  }
0x4d: {  	s5 =	simm.s32 $0x2;
	s2 =	simm.s32 $0x2020;
	p0 =	por $0x1, $0x1;
	v6 =	vadd.s32 v9, v6  }
0x4e: {  	v7 =	vld [tilespmem:s2+$0x0];
	s0 =	sadd.s32 $0xFFFFFFF0, s0  }
0x4f: {  	p5 =	sne.s32 s15, $0x3;
	v9 =	vld [tilespmem:s0+$0x0]  }
.Ltmp4:
0x50: {  	_ = 	snop;
	(pc) =	sbr.rel @!p5 .LBB2_7-.Ltmp4, $3  }
0x51: {  	_ =	sdelay $0x1  }
0x52: {  	(xrf2) =	vadd.scan.msk.f32 $0xffff, v5;
	v5 =	vld.idx.msk [tilespmem:v6+s25+$0x0], $0xffff;
	v6 =	vadd.s32 v7, v8  }
0x53: {  	s2 =	simm.s32 $0x3;
	s3 =	simm.s32 $0x2030;
	p1 =	por $0x1, $0x1;
	v6 =	vadd.s32 v9, v6  }
0x54: {  	_ =	sdelay $0x1  }
0x55: {  	v7 =	vld [tilespmem:s3+$0x0];
	s0 =	sadd.s32 $0xFFFFFFF0, s0  }
0x56: {  	p5 =	sne.s32 s15, $0x4;
	v9 =	vld [tilespmem:s0+$0x0]  }
.Ltmp5:
0x57: {  	_ = 	snop;
	(pc) =	sbr.rel @!p5 .LBB2_9-.Ltmp5, $3  }
0x58: {  	_ =	sdelay $0x1  }
0x59: {  	(xrf2) =	vadd.scan.msk.f32 $0xffff, v5;
	v5 =	vld.idx.msk [tilespmem:v6+s25+$0x0], $0xffff;
	v6 =	vadd.s32 v7, v8  }
0x5a: {  	s6 =	simm.s32 $0x4;
	s3 =	simm.s32 $0x2040;
	p2 =	por $0x1, $0x1;
	v6 =	vadd.s32 v9, v6;
	v7, _, _ =	vpop (xrf2)  }
0x5b: {  	(v2sf) =	vpush v7, $0xF;
	_ =	sdelay $0x6  }
0x5c: {  	v9 =	vld [tilespmem:s3+$0x0];
	s0 =	sadd.s32 $0xFFFFFFF0, s0  }
0x5d: {  	p5 =	sne.s32 s15, $0x5;
	v10 =	vld [tilespmem:s0+$0x0]  }
.Ltmp6:
0x5e: {  	_ = 	snop;
	(pc) =	sbr.rel @!p5 .LBB2_11-.Ltmp6, $3  }
0x5f: {  	_ =	sdelay $0x1  }
0x60: {  	(xrf2) =	vadd.scan.msk.f32 $0xffff, v5;
	v5 =	vld.idx.msk [tilespmem:v6+s25+$0x0], $0xffff;
	v6 =	vadd.s32 v9, v8  }
0x61: {  	s4 =	simm.s32 $0x5;
	s3 =	simm.s32 $0x2050;
	p3 =	por $0x1, $0x1;
	v6 =	vadd.s32 v10, v6;
	v9, _, _ =	vpop (xrf2)  }
0x62: {  	(v2sf) =	vpush v9, $0xF;
	_ =	sdelay $0x1  }
0x63: {  	v10 =	vld [tilespmem:s3+$0x0];
	s7 =	sadd.s32 $0xFFFFFFF0, s0  }
0x64: {  	p5 =	sne.s32 s15, $0x6;
	v11 =	vld [tilespmem:s7+$0x0]  }
.Ltmp7:
0x65: {  	_ = 	snop;
	(pc) =	sbr.rel @!p5 .LBB2_13-.Ltmp7, $4  }
0x66: {  	(xrf2) =	vadd.scan.msk.f32 $0xffff, v5  }
0x67: {  	s0 =	simm.s32 $0x6;
	s3 =	simm.s32 $0x2060  }
0x68: {  	p4 =	por $0x1, $0x1;
	s8 =	simm.f32 $-1.000000000e+00;
	s10 =	simm.s32 $0x0;
	v5 =	vld.idx.msk [tilespmem:v6+s25+$0x0], $0xffff;
	v6 =	vadd.s32 v10, v8  }
0x69: {  	s9 =	simm.s32 $0x0;
	s16 =	simm.s32 $0x1;
	s19 =	simm.s32 $0x2;
	v6 =	vadd.s32 v11, v6;
	v10, _, _ =	vpop (xrf2)  }
.LBB2_14:
0x6a: {  	v11 =	vld [tilespmem:s3+$0x0];
	s7 =	sadd.s32 $0xFFFFFFF0, s7;
	(v2sf) =	vpush v10, $0xF;
	s11 =	smov.u32 s0;
	s0 =	sadd.s32 $0x1, s0  }
0x6b: {  	v10 =	vld [tilespmem:s7+$0x0];
	p5 =	sne.s32 s15, s0;
	s12 =	spop (v2sf)  }
.Ltmp8:
0x6c: {  	p6 =	sgt.f32 s12, s8;
	(pc) =	sbr.rel @p5 .LBB2_14-.Ltmp8, $4  }
0x6d: {  	(xrf2) =	vadd.scan.msk.f32 $0xffff, v5  }
0x6e: {  	v5 =	vld.idx.msk [tilespmem:v6+s25+$0x0], $0xffff;
	s8 =	smov.u32 @p6 s12;
	s9 =	smov.u32 @p6 s10;
	s10 =	smov.u32 s16  }
0x6f: {  	s16 =	smov.u32 s19;
	s19 =	smov.u32 s2;
	s2 =	smov.u32 s6;
	v6 =	vadd.s32 v11, v8  }
0x70: {  	s3 =	sadd.s32 $0x10, s3;
	s6 =	smov.u32 s4;
	s4 =	smov.u32 s11;
	v6 =	vadd.s32 v10, v6;
	v10, _, _ =	vpop (xrf2)  }
0x71: {  	s7 =	smov.u32 s2;
	s2 =	smov.u32 s4  }
.LBB2_16:
0x72: {  	_ =	sdelay $0x2  }
0x73: {  	(xrf2) =	vadd.scan.msk.f32 @p0 $0xffff, v5  }
0x74: {  	v5 =	vld.idx.msk [tilespmem:v6+s25+$0x0], $0xffff  }
0x75: {  	(v2sf) =	vpush @p2 v10, $0xF;
	_ =	sdelay $0x2  }
0x76: {  	v6, _, _ =	vpop @p1 (xrf2)  }
0x77: {  	v6 =	vpsel p1, v6, v9;
	(xrf2) =	vadd.scan.msk.f32 $0xffff, v5  }
0x78: {  	s0 =	spop @p4 (v2sf);
	(v2sf) =	vpush @p1 v6, $0xF  }
0x79: {  	p5 =	sgt.f32 @p4 s0, s8;
	_ =	sdelay $0x1  }
0x7a: {  	p5 =	por !p5, !p4;
	v5, _, _ =	vpop @p0 (xrf2)  }
0x7b: {  	s3 =	simm.f32 $-1.000000000e+00;
	s0 =	smov.u32 @p5 s8;
	v5 =	vpsel p0, v5, v7  }
0x7c: {  	s3 =	smov.u32 @p4 s0;
	s0 =	spop @p3 (v2sf);
	(v2sf) =	vpush @p0 v5, $0xF  }
0x7d: {  	p6 =	sgt.f32 @p3 s0, s3  }
0x7e: {  	s10 =	smov.u32 @p5 s9;
	s9 =	smov.u32 s24  }
0x7f: {  	s9 =	smov.u32 @p4 s10;
	p4 =	por !p6, !p3  }
0x80: {  	s0 =	smov.u32 @p4 s3;
	s3 =	simm.f32 $-1.000000000e+00;
	v5, _, _ =	vpop (xrf2)  }
0x81: {  	s3 =	smov.u32 @p3 s0;
	s0 =	spop @p2 (v2sf);
	(v2sf) =	vpush v5, $0xF  }
0x82: {  	s4 =	smov.u32 @p3 s16;
	s1 =	smov.u32 @p1 s7;
	p5 =	sgt.f32 @p2 s0, s3  }
0x83: {  	s5 =	smov.u32 @p0 s6;
	s7 =	smov.u32 s24;
	s4 =	smov.u32 @p3 s4  }
0x84: {  	s8 =	smov.u32 @p2 s19;
	s4 =	smov.u32 @p4 s9;
	p4 =	por !p5, !p2  }
0x85: {  	s19 =	simm.s32 $0x6B00;
	s0 =	smov.u32 @p4 s3;
	s3 =	simm.f32 $-1.000000000e+00  }
0x86: {  	s10 =	smov.u32 s24;
	s3 =	smov.u32 @p2 s0;
	s0 =	spop @p1 (v2sf)  }
0x87: {  	v8 =	vld [tilespmem:s19+$0xFFFFFE00];
	s10 =	smov.u32 @p2 s8;
	s7 =	smov.u32 @p3 s4;
	p3 =	sgt.f32 @p1 s0, s3  }
0x88: {  	s1 =	smov.u32 @p1 s1;
	v50 =	vld [tilespmem:s19+$0xFFFFFD80];
	s6 =	smov.u32 @p2 s10;
	s4 =	smov.u32 s24  }
0x89: {  	v51 =	vld [tilespmem:s19+$0xFFFFFD00];
	s6 =	smov.u32 @p2 s6;
	s4 =	smov.u32 @p0 s5;
	p3 =	por !p3, !p1  }
0x8a: {  	v11 =	vld [tilespmem:s19+$0x180];
	s5 =	smov.u32 @p1 s1;
	s0 =	smov.u32 @p3 s3;
	s3 =	simm.f32 $-1.000000000e+00  }
0x8b: {  	v13 =	vld [tilespmem:s19+$0x200];
	s1 =	smov.u32 @p0 s4;
	s3 =	smov.u32 @p1 s0;
	s0 =	spop @p0 (v2sf)  }
0x8c: {  	v16 =	vld [tilespmem:s19+$0x280];
	s4 =	smov.u32 s24;
	s6 =	smov.u32 @p4 s7;
	p4 =	sgt.f32 @p0 s0, s3  }
0x8d: {  	v20 =	vld [tilespmem:s19+$0xFFFFFF80];
	s1 =	smov.u32 @p0 s1;
	s4 =	smov.u32 @p2 s6  }
0x8e: {  	v22 =	vld [tilespmem:s19+$0x0];
	s6 =	smov.u32 @p0 s1;
	s5 =	smov.u32 @p3 s4;
	p2 =	por !p4, !p0  }
0x8f: {  	v23 =	vld [tilespmem:s19+$0x80];
	s4 =	smov.u32 @p0 s6;
	s6 =	smov.u32 s24;
	s0 =	smov.u32 @p2 s3  }
0x90: {  	v24 =	vld [tilespmem:s19+$0x100];
	s6 =	smov.u32 @p1 s5;
	s5 =	spop (v2sf);
	s23 =	smov.u32 @p0 s0  }
0x91: {  	v6 =	vld [tilespmem:s19+$0xFFFFFF00];
	s4 =	smov.u32 @p2 s6;
	s0 =	smov.u32 s24;
	p1 =	sgt.f32 s5, s23  }
0x92: {  	v7 =	vld [tilespmem:s19+$0xFFFFFE80];
	s1 =	simm.s32 $0x7100;
	s0 =	smov.u32 @p0 s4  }
0x93: {  	v12 =	vld [tilespmem:s1+$0xFFFFFD80];
	s0 =	smov.u32 @p1 s2  }
0x94: {  	v14 =	vld [tilespmem:s1+$0xFFFFFE00];
	s0 =	sshll.u32 s0, $0x2  }
0x95: {  	v15 =	vld [tilespmem:s1+$0xFFFFFE80];
	v5 =	vmov s0  }
0x96: {  	v17 =	vld [tilespmem:s1+$0xFFFFFF00];
	v10 =	vadd.s32 v5, v51  }
0x97: {  	v18 =	vld [tilespmem:s1+$0x0];
	v9 =	vadd.s32 v5, v50  }
0x98: {  	v19 =	vld [tilespmem:s1+$0x80];
	v8 =	vadd.s32 v5, v8  }
0x99: {  	v21 =	vld [tilespmem:s1+$0xFFFFFD00];
	v7 =	vadd.s32 v5, v7  }
0x9a: {  	v52 =	vld [tilespmem:s1+$0xFFFFFF80];
	v6 =	vadd.s32 v5, v6  }
0x9b: {  	v20 =	vadd.s32 v5, v20;
	v10 =	vld.idx.msk [tilespmem:v10+s21+$0x0], $0xffff  }
0x9c: {  	v22 =	vadd.s32 v5, v22;
	v9 =	vld.idx.msk [tilespmem:v9+s21+$0x0], $0xffff  }
0x9d: {  	v23 =	vadd.s32 v5, v23;
	v8 =	vld.idx.msk [tilespmem:v8+s21+$0x0], $0xffff  }
0x9e: {  	v7 =	vld.idx.msk [tilespmem:v7+s21+$0x0], $0xffff  }
0x9f: {  	v6 =	vld.idx.msk [tilespmem:v6+s21+$0x0], $0xffff  }
0xa0: {  	v20 =	vld.idx.msk [tilespmem:v20+s21+$0x0], $0xffff  }
0xa1: {  	v53 =	vld.idx.msk [tilespmem:v22+s21+$0x0], $0xffff  }
0xa2: {  	v13 =	vadd.s32 v5, v13;
	v54 =	vld.idx.msk [tilespmem:v23+s21+$0x0], $0xffff  }
0xa3: {  	v24 =	vadd.s32 v5, v24  }
0xa4: {  	v11 =	vadd.s32 v5, v11;
	v16 =	vadd.s32 v5, v16;
	v10 =	vshrl.u32 v10, v21  }
0xa5: {  	v56 =	vld [tilespmem:s1+$0x100];
	v9 =	vshrl.u32 v9, v12;
	v8 =	vshrl.u32 v8, v14;
	v7 =	vshrl.u32 v7, v15  }
0xa6: {  	v61 =	vld [tilespmem:s1+$0x200];
	v58 =	vshrl.u32 v20, v52;
	v6 =	vshrl.u32 v6, v17;
	v12 =	vshrl.u32 v53, v18  }
0xa7: {  	v60 =	vld.idx.msk [tilespmem:v13+s21+$0x0], $0xffff;
	v14 =	vshrl.u32 v54, v19;
	v10 =	vshll.u32 v10, $0xB;
	v9 =	vshll.u32 v9, $0xA  }
0xa8: {  	v59 =	vld [tilespmem:s1+$0x180];
	v8 =	vshll.u32 v8, $0x9;
	v10 =	vand.u32 $0x800, v10;
	v9 =	vand.u32 $0x400, v9  }
0xa9: {  	v55 =	vld.idx.msk [tilespmem:v24+s21+$0x0], $0xffff;
	v7 =	vshll.u32 v7, $0x8;
	v8 =	vand.u32 $0x200, v8;
	v9 =	vor.u32 v10, v9  }
0xaa: {  	v57 =	vld.idx.msk [tilespmem:v11+s21+$0x0], $0xffff;
	v6 =	vshll.u32 v6, $0x7;
	v7 =	vand.u32 $0x100, v7;
	v8 =	vor.u32 v8, v9  }
0xab: {  	v6 =	vand.u32 $0x80, v6;
	v7 =	vor.u32 v7, v8;
	v8 =	vshll.u32 v58, $0x6  }
0xac: {  	v11 =	vshrl.u32 v60, v61;
	v8 =	vand.u32 $0x40, v8;
	v6 =	vor.u32 v6, v7;
	v7 =	vld.idx.msk [tilespmem:v16+s21+$0x0], $0xffff  }
0xad: {  	v12 =	vshll.u32 v12, $0x5;
	v14 =	vshll.u32 v14, $0x4;
	v6 =	vor.u32 v8, v6;
	v8 =	vld [tilespmem:s1+$0x280]  }
0xae: {  	v12 =	vand.u32 $0x20, v12;
	v14 =	vand.u32 $0x10, v14;
	v10 =	vshrl.u32 v55, v56  }
0xaf: {  	v10 =	vshll.u32 v10, $0x3;
	v9 =	vshrl.u32 v57, v59;
	v6 =	vor.u32 v12, v6  }
0xb0: {  	v10 =	vand.u32 $0x8, v10;
	v9 =	vshll.u32 v9, $0x2;
	v6 =	vadd.s32 v14, v6  }
0xb1: {  	v62 =	vshll.u32 v11, $0x1;
	v9 =	vand.u32 $0x4, v9;
	v6 =	vadd.s32 v10, v6  }
0xb2: {  	s8 =	simm.s32 $0x17A80;
	v63 =	vand.u32 $0x2, v62;
	v6 =	vadd.s32 v9, v6;
	v7 =	vshrl.u32 v7, v8  }
0xb3: {  	s9 =	simm.s32 $0x6B10;
	s6 =	simm.s32 $0x10;
	s4 =	simm.s32 $0x17A00;
	v6 =	vadd.s32 v63, v6;
	v8 =	vmov s24;
	v7 =	vand.u32 $0x1, v7  }
0xb4: {  	s23 =	smov.u32 @p1 s5;
	s5 =	simm.s32 $0x17A80;
	s24 =	simm.s32 $0x17A00;
	v6 =	vadd.s32 v7, v6;
	v7 =	vshll.u32 v8, $0x5  }
.LBB2_17:
0xb5: {  	v7 =	vor.u32 v1, v7;
	v8 =	vshrl.u32 v6, $0x7;
	s4 =	sadd.s32 $0x10, s4;
	s5 =	sadd.s32 $0x10, s5;
	s1 =	sadd.s32 $0x10, s1  }
0xb6: {  	p0 =	sne.s32 s6, $0x70;
	s10 =	smov.u32 s6;
	s6 =	sadd.s32 $0x10, s6;
	v7 =	vadd.s32 v7, v8  }
0xb7: {  	v6 =	vand.u32 $0x7F, v6;
	[tilespmem:s8+$0x0] =	vst v7;
	s8 =	smov.u32 s5  }
0xb8: {  	[tilespmem:s24+$0x0] =	vst v6;
	s24 =	smov.u32 s4  }
0xb9: {  	v6 =	vld [tilespmem:s9+$0xFFFFFF00]  }
0xba: {  	v7 =	vld [tilespmem:s9+$0xFFFFFE80]  }
0xbb: {  	v8 =	vld [tilespmem:s9+$0xFFFFFE00]  }
0xbc: {  	v9 =	vld [tilespmem:s9+$0xFFFFFD80]  }
0xbd: {  	v10 =	vld [tilespmem:s9+$0xFFFFFD00]  }
0xbe: {  	v11 =	vld [tilespmem:s9+$0x180]  }
0xbf: {  	v12 =	vld [tilespmem:s1+$0xFFFFFD80]  }
0xc0: {  	v13 =	vld [tilespmem:s9+$0x200]  }
0xc1: {  	v14 =	vld [tilespmem:s1+$0xFFFFFE00]  }
0xc2: {  	v15 =	vld [tilespmem:s1+$0xFFFFFE80]  }
0xc3: {  	v16 =	vld [tilespmem:s9+$0x280]  }
0xc4: {  	v17 =	vld [tilespmem:s1+$0xFFFFFF00]  }
0xc5: {  	v18 =	vld [tilespmem:s1+$0x0];
	v13 =	vadd.s32 v5, v13  }
0xc6: {  	v11 =	vadd.s32 v5, v11;
	v19 =	vld [tilespmem:s1+$0x80]  }
0xc7: {  	v10 =	vadd.s32 v5, v10;
	v20 =	vld [tilespmem:s9+$0xFFFFFF80]  }
0xc8: {  	v9 =	vadd.s32 v5, v9;
	v21 =	vld [tilespmem:s1+$0xFFFFFD00];
	v16 =	vadd.s32 v5, v16  }
0xc9: {  	v8 =	vadd.s32 v5, v8;
	v22 =	vld [tilespmem:s9+$0x0]  }
0xca: {  	v7 =	vadd.s32 v5, v7;
	v23 =	vld [tilespmem:s9+$0x80]  }
0xcb: {  	v6 =	vadd.s32 v5, v6;
	v24 =	vld [tilespmem:s9+$0x100]  }
0xcc: {  	v10 =	vld.idx.msk [tilespmem:v10+s21+$0x0], $0xffff;
	v20 =	vadd.s32 v5, v20  }
0xcd: {  	v9 =	vld.idx.msk [tilespmem:v9+s21+$0x0], $0xffff  }
0xce: {  	v8 =	vld.idx.msk [tilespmem:v8+s21+$0x0], $0xffff;
	v22 =	vadd.s32 v5, v22  }
0xcf: {  	v7 =	vld.idx.msk [tilespmem:v7+s21+$0x0], $0xffff;
	v23 =	vadd.s32 v5, v23  }
0xd0: {  	v6 =	vld.idx.msk [tilespmem:v6+s21+$0x0], $0xffff;
	v24 =	vadd.s32 v5, v24  }
0xd1: {  	v20 =	vld.idx.msk [tilespmem:v20+s21+$0x0], $0xffff  }
0xd2: {  	v10 =	vshrl.u32 v10, v21;
	v21 =	vld [tilespmem:s1+$0xFFFFFF80]  }
0xd3: {  	v10 =	vshll.u32 v10, $0xB;
	v9 =	vshrl.u32 v9, v12;
	v12 =	vld.idx.msk [tilespmem:v22+s21+$0x0], $0xffff  }
0xd4: {  	v10 =	vand.u32 $0x800, v10;
	v9 =	vshll.u32 v9, $0xA;
	v8 =	vshrl.u32 v8, v14;
	v14 =	vld.idx.msk [tilespmem:v23+s21+$0x0], $0xffff  }
0xd5: {  	v9 =	vand.u32 $0x400, v9;
	v8 =	vshll.u32 v8, $0x9;
	v7 =	vshrl.u32 v7, v15;
	v15 =	vld.idx.msk [tilespmem:v24+s21+$0x0], $0xffff  }
0xd6: {  	v9 =	vor.u32 v10, v9;
	v8 =	vand.u32 $0x200, v8;
	v7 =	vshll.u32 v7, $0x8;
	v10 =	vld [tilespmem:s1+$0x100]  }
0xd7: {  	v8 =	vor.u32 v8, v9;
	v7 =	vand.u32 $0x100, v7;
	v9 =	vshrl.u32 v20, v21;
	v11 =	vld.idx.msk [tilespmem:v11+s21+$0x0], $0xffff  }
0xd8: {  	v6 =	vshrl.u32 v6, v17;
	v7 =	vor.u32 v7, v8;
	v8 =	vshll.u32 v9, $0x6;
	v9 =	vld [tilespmem:s1+$0x180]  }
0xd9: {  	v6 =	vshll.u32 v6, $0x7;
	v12 =	vshrl.u32 v12, v18;
	v8 =	vand.u32 $0x40, v8;
	v13 =	vld.idx.msk [tilespmem:v13+s21+$0x0], $0xffff  }
0xda: {  	v6 =	vand.u32 $0x80, v6;
	v12 =	vshll.u32 v12, $0x5;
	v14 =	vshrl.u32 v14, v19;
	v17 =	vld [tilespmem:s1+$0x200]  }
0xdb: {  	v6 =	vor.u32 v6, v7;
	v7 =	vand.u32 $0x20, v12;
	v12 =	vshll.u32 v14, $0x4;
	v14 =	vld.idx.msk [tilespmem:v16+s21+$0x0], $0xffff  }
0xdc: {  	v6 =	vor.u32 v8, v6;
	v8 =	vand.u32 $0x10, v12;
	v10 =	vshrl.u32 v15, v10;
	v12 =	vld [tilespmem:s1+$0x280]  }
0xdd: {  	v6 =	vor.u32 v7, v6;
	v7 =	vshll.u32 v10, $0x3;
	v9 =	vshrl.u32 v11, v9  }
0xde: {  	v6 =	vadd.s32 v8, v6;
	v7 =	vand.u32 $0x8, v7;
	v8 =	vshll.u32 v9, $0x2  }
.Ltmp9:
0xdf: {  	v6 =	vadd.s32 v7, v6;
	v7 =	vand.u32 $0x4, v8;
	v8 =	vshrl.u32 v13, v17;
	(pc) =	sbr.rel @p0 .LBB2_17-.Ltmp9, $4  }
0xe0: {  	v6 =	vadd.s32 v7, v6;
	v7 =	vshll.u32 v8, $0x1  }
0xe1: {  	v7 =	vand.u32 $0x2, v7;
	v8 =	vshrl.u32 v14, v12  }
0xe2: {  	v6 =	vadd.s32 v7, v6;
	v7 =	vand.u32 $0x1, v8;
	v8 =	vmov s10  }
0xe3: {  	s9 =	sadd.s32 $0x10, s9;
	v6 =	vadd.s32 v7, v6;
	v7 =	vshll.u32 v8, $0x5  }
0xe4: {  	v5 =	vor.u32 v1, v7;
	v7 =	vshrl.u32 v6, $0x7  }
0xe5: {  	v5 =	vadd.s32 v5, v7  }
0xe6: {  	[tilespmem:s8+$0x0] =	vst v5;
	v5 =	vand.u32 $0x7F, v6  }
0xe7: {  	s0 =	rddreg [dreg:$0xa];
	[tilespmem:s24+$0x0] =	vst v5  }
0xe8: {  	[tilespmem:s29], [sflag:$0x1] =	stream.indirect.gather [hbm4b:s0+s26], $0x80, s28, s26, $0xb8;
	[tilespmem:$0x1BC80] =	vst v63  }
0xe9: {  	_ =	swait.ge [sflag:s30], $0x4000  }
0xea: {  	[sflag:s30] =	ssyncset.done $0x0  }
0xeb: {  	s19 =	simm.s32 $0x17A00;
	[sflag:s30] =	ssyncadd.s32 $0xFFFFC000  }
0xec: {  	v5 =	vld [tilespmem:s19+$0x0];
	_ =	sdelay $0x1  }
0xed: {  	s24 =	simm.s32 $0x0  }
0xee: {  	v6 =	vmov s24  }
0xef: {  	v6 =	vshll.u32 v6, $0x7  }
0xf0: {  	v6 =	vor.u32 v2, v6;
	v7 =	vand.u32 $0xFFFFFF80, v5  }
0xf1: {  	v5 =	vand.u32 $0x7F, v5;
	v6 =	vadd.s32 v6, v7  }
0xf2: {  	v5 =	vor.u32 v5, v6;
	_ =	sdelay $0x4  }
0xf3: {  	v5 =	vld.idx.msk [tilespmem:v5+s29+$0x0], $0xffff;
	_ =	sdelay $0x2  }
0xf4: {  	p0 =	sgt.f32 s23, $0.0e+00  }
0xf5: {  	vm2 =	vmmov vm0  }
0xf6: {  	vm2 =	vmneg @p0 vm2;
	vm3 =	vgt.f32 v5, $5.000000000e-01  }
0xf7: {  	vm3 =	vmand vm2, vm3  }
0xf8: {  	s1 =	simm.s32 $0x1BB00;
	v5 =	vsel vm3, $0x1, v3  }
0xf9: {  	s2 =	simm.s32 $0x17A10;
	[tilespmem:s1+$0x0] =	vst v5  }
0xfa: {  	s3 =	simm.s32 $0x20;
	s0 =	simm.s32 $0x10;
	v5 =	vld [tilespmem:s2+$0x0]  }
.LBB2_19:
0xfb: {  	p0 =	sne.s32 s3, $0x70;
	_ =	sdelay $0x1  }
0xfc: {  	v6 =	vmov s0;
	s0 =	smov.u32 s3  }
0xfd: {  	v6 =	vshll.u32 v6, $0x7  }
0xfe: {  	v6 =	vor.u32 v2, v6;
	v7 =	vand.u32 $0xFFFFFF80, v5  }
0xff: {  	v5 =	vand.u32 $0x7F, v5;
	v6 =	vadd.s32 v6, v7  }
0x100: {  	v5 =	vor.u32 v5, v6;
	_ =	sdelay $0x4  }
0x101: {  	v5 =	vld.idx.msk [tilespmem:v5+s29+$0x0], $0xffff;
	_ =	sdelay $0x5  }
.Ltmp10:
0x102: {  	vm3 =	vgt.f32 v5, $5.000000000e-01;
	(pc) =	sbr.rel @p0 .LBB2_19-.Ltmp10, $4  }
0x103: {  	vm3 =	vmand vm2, vm3  }
0x104: {  	s1 =	sadd.s32 $0x10, s1;
	v5 =	vsel vm3, $0x1, v3  }
0x105: {  	s2 =	sadd.s32 $0x10, s2;
	[tilespmem:s1+$0x0] =	vst v5  }
0x106: {  	s3 =	sadd.s32 $0x10, s3;
	v5 =	vld [tilespmem:s2+$0x0]  }
0x107: {  	s2 =	scvt.f32.s32 s23;
	_ =	sdelay $0x1  }
0x108: {  	v6 =	vmov s0;
	s16 =	scvt.s32.f32 s2  }
0x109: {  	v6 =	vshll.u32 v6, $0x7  }
0x10a: {  	v6 =	vor.u32 v2, v6;
	v7 =	vand.u32 $0xFFFFFF80, v5;
	s0 =	ssub.f32 s23, s16  }
0x10b: {  	v5 =	vand.u32 $0x7F, v5;
	v6 =	vadd.s32 v6, v7  }
0x10c: {  	s3 =	sand.u32 $0x1, s2;
	v5 =	vor.u32 v5, v6;
	p0 =	seq.f32 s0, $5.000000000e-01  }
0x10d: {  	p1 =	seq.s32 s3, $0x1  }
0x10e: {  	p2 =	sgt.f32 s0, $5.000000000e-01;
	p0 =	por !p0, !p1  }
0x10f: {  	p0 =	por !p0, !p0  }
0x110: {  	s0 =	simm.s32 $0x1;
	p0 =	por p2, p0  }
0x111: {  	v5 =	vld.idx.msk [tilespmem:v5+s29+$0x0], $0xffff;
	s0 =	simm.s32 @!p0 $0x0  }
0x112: {  	s0 =	sadd.s32 s2, s0  }
0x113: {  	p0 =	sgt.s32 s0, $0x0  }
0x114: {  	s0 =	simm.s32 @!p0 $0x0  }
0x115: {  	s0 =	smin.u32 s0, $0x10  }
0x116: {  	vm3 =	vgt.f32 v5, $5.000000000e-01;
	v5 =	vmov s0  }
0x117: {  	vm2 =	vmand vm2, vm3;
	v5 =	vshrl.u32 v5, v4  }
0x118: {  	s19 =	sadd.s32 $0x10, s1;
	v6 =	vsel vm2, $0x1, v3;
	v5 =	vand.u32 $0x1, v5  }
0x119: {  	[tilespmem:s19+$0x0] =	vst v6;
	v5 =	vnsel vm1, $0x0, v5  }
0x11a: {  	s23 =	simm.s32 $0x7700;
	[tilespmem:$0x1BB80] =	vst v5  }
0x11b: {  	v5 =	vld [tilespmem:s23+$0x280]  }
0x11c: {  	v6 =	vld [tilespmem:s23+$0x200]  }
0x11d: {  	v7 =	vld [tilespmem:s23+$0x180]  }
0x11e: {  	v8 =	vld [tilespmem:s23+$0x100]  }
0x11f: {  	v9 =	vld [tilespmem:s23+$0xFFFFFD80]  }
0x120: {  	v10 =	vld [tilespmem:s23+$0xFFFFFD00]  }
0x121: {  	v11 =	vld [tilespmem:s23+$0xFFFFFE00]  }
0x122: {  	v12 =	vld [tilespmem:s23+$0xFFFFFE80]  }
0x123: {  	v13 =	vld [tilespmem:s23+$0xFFFFFF00]  }
0x124: {  	v14 =	vld [tilespmem:s23+$0xFFFFFF80]  }
0x125: {  	v15 =	vld [tilespmem:s23+$0x0]  }
0x126: {  	v16 =	vld [tilespmem:s23+$0x80]  }
0x127: {  	v9 =	vld.idx.msk [tilespmem:v9+s31+$0x0], $0xffff  }
0x128: {  	v10 =	vld.idx.msk [tilespmem:v10+s31+$0x0], $0xffff  }
0x129: {  	v11 =	vld.idx.msk [tilespmem:v11+s31+$0x0], $0xffff  }
0x12a: {  	v12 =	vld.idx.msk [tilespmem:v12+s31+$0x0], $0xffff  }
0x12b: {  	v13 =	vld.idx.msk [tilespmem:v13+s31+$0x0], $0xffff  }
0x12c: {  	v14 =	vld.idx.msk [tilespmem:v14+s31+$0x0], $0xffff  }
0x12d: {  	v15 =	vld.idx.msk [tilespmem:v15+s31+$0x0], $0xffff;
	v10 =	vshll.u32 v10, $0xB;
	v9 =	vshll.u32 v9, $0xA  }
0x12e: {  	v16 =	vld.idx.msk [tilespmem:v16+s31+$0x0], $0xffff;
	v9 =	vadd.s32 v10, v9;
	v10 =	vshll.u32 v11, $0x9  }
0x12f: {  	v8 =	vld.idx.msk [tilespmem:v8+s31+$0x0], $0xffff;
	v9 =	vadd.s32 v10, v9;
	v10 =	vshll.u32 v12, $0x8  }
0x130: {  	v7 =	vld.idx.msk [tilespmem:v7+s31+$0x0], $0xffff;
	v9 =	vadd.s32 v10, v9;
	v10 =	vshll.u32 v13, $0x7  }
0x131: {  	v6 =	vld.idx.msk [tilespmem:v6+s31+$0x0], $0xffff;
	v9 =	vadd.s32 v10, v9;
	v10 =	vshll.u32 v14, $0x6  }
0x132: {  	v9 =	vadd.s32 v10, v9;
	v10 =	vshll.u32 v15, $0x5  }
0x133: {  	v5 =	vld.idx.msk [tilespmem:v5+s31+$0x0], $0xffff;
	v9 =	vadd.s32 v10, v9;
	v10 =	vshll.u32 v16, $0x4  }
0x134: {  	v8 =	vshll.u32 v8, $0x3;
	v9 =	vadd.s32 v10, v9  }
0x135: {  	v7 =	vshll.u32 v7, $0x2;
	v8 =	vadd.s32 v8, v9  }
0x136: {  	s24 =	simm.s32 $0x0;
	v6 =	vshll.u32 v6, $0x1;
	v7 =	vadd.s32 v7, v8  }
0x137: {  	v6 =	vadd.s32 v6, v7;
	v7 =	vmov s24  }
0x138: {  	v5 =	vadd.s32 v5, v6;
	v6 =	vshll.u32 v7, $0x5  }
0x139: {  	v6 =	vor.u32 v1, v6;
	v7 =	vshra.s32 v5, $0x7  }
0x13a: {  	s4 =	simm.s32 $0x17A80;
	v6 =	vadd.s32 v6, v7  }
0x13b: {  	s1 =	simm.s32 $0x17A00;
	v5 =	vand.u32 $0x7F, v5;
	[tilespmem:s4+$0x0] =	vst v6  }
0x13c: {  	s6 =	simm.s32 $0x7710;
	[tilespmem:s1+$0x0] =	vst v5  }
0x13d: {  	v5 =	vld [tilespmem:s6+$0x280]  }
0x13e: {  	v6 =	vld [tilespmem:s6+$0x200]  }
0x13f: {  	v7 =	vld [tilespmem:s6+$0x180]  }
0x140: {  	v8 =	vld [tilespmem:s6+$0x100]  }
0x141: {  	v9 =	vld [tilespmem:s6+$0xFFFFFD80]  }
0x142: {  	v10 =	vld [tilespmem:s6+$0xFFFFFD00]  }
0x143: {  	s5 =	simm.s32 $0x10;
	s8 =	simm.s32 $0x20;
	v11 =	vld [tilespmem:s6+$0xFFFFFE00]  }
.LBB2_21:
0x144: {  	p0 =	sne.s32 s8, $0x70;
	v12 =	vld [tilespmem:s6+$0xFFFFFE80]  }
0x145: {  	v13 =	vld [tilespmem:s6+$0xFFFFFF00]  }
0x146: {  	v14 =	vld [tilespmem:s6+$0xFFFFFF80]  }
0x147: {  	v15 =	vld [tilespmem:s6+$0x0]  }
0x148: {  	v16 =	vld [tilespmem:s6+$0x80]  }
0x149: {  	v9 =	vld.idx.msk [tilespmem:v9+s31+$0x0], $0xffff  }
0x14a: {  	v10 =	vld.idx.msk [tilespmem:v10+s31+$0x0], $0xffff  }
0x14b: {  	v11 =	vld.idx.msk [tilespmem:v11+s31+$0x0], $0xffff  }
0x14c: {  	v12 =	vld.idx.msk [tilespmem:v12+s31+$0x0], $0xffff  }
0x14d: {  	v13 =	vld.idx.msk [tilespmem:v13+s31+$0x0], $0xffff  }
0x14e: {  	v14 =	vld.idx.msk [tilespmem:v14+s31+$0x0], $0xffff  }
0x14f: {  	v15 =	vld.idx.msk [tilespmem:v15+s31+$0x0], $0xffff  }
0x150: {  	v9 =	vshll.u32 v9, $0xA;
	v10 =	vshll.u32 v10, $0xB;
	v16 =	vld.idx.msk [tilespmem:v16+s31+$0x0], $0xffff  }
0x151: {  	v9 =	vadd.s32 v10, v9;
	v10 =	vshll.u32 v11, $0x9;
	v8 =	vld.idx.msk [tilespmem:v8+s31+$0x0], $0xffff  }
0x152: {  	v9 =	vadd.s32 v10, v9;
	v10 =	vshll.u32 v12, $0x8;
	v7 =	vld.idx.msk [tilespmem:v7+s31+$0x0], $0xffff  }
0x153: {  	v9 =	vadd.s32 v10, v9;
	v10 =	vshll.u32 v13, $0x7;
	v6 =	vld.idx.msk [tilespmem:v6+s31+$0x0], $0xffff  }
0x154: {  	v9 =	vadd.s32 v10, v9;
	v10 =	vshll.u32 v14, $0x6  }
0x155: {  	v9 =	vadd.s32 v10, v9;
	v10 =	vshll.u32 v15, $0x5;
	v5 =	vld.idx.msk [tilespmem:v5+s31+$0x0], $0xffff  }
0x156: {  	v9 =	vadd.s32 v10, v9;
	v10 =	vshll.u32 v16, $0x4  }
0x157: {  	v9 =	vadd.s32 v10, v9;
	v8 =	vshll.u32 v8, $0x3  }
0x158: {  	v8 =	vadd.s32 v8, v9;
	v7 =	vshll.u32 v7, $0x2  }
0x159: {  	v7 =	vadd.s32 v7, v8;
	v6 =	vshll.u32 v6, $0x1  }
0x15a: {  	v6 =	vadd.s32 v6, v7;
	v7 =	vmov s5;
	s5 =	smov.u32 s8  }
0x15b: {  	v5 =	vadd.s32 v5, v6;
	v6 =	vshll.u32 v7, $0x5  }
0x15c: {  	v6 =	vor.u32 v1, v6;
	v7 =	vshra.s32 v5, $0x7  }
0x15d: {  	s4 =	sadd.s32 $0x10, s4;
	v6 =	vadd.s32 v6, v7  }
0x15e: {  	s1 =	sadd.s32 $0x10, s1;
	v5 =	vand.u32 $0x7F, v5;
	[tilespmem:s4+$0x0] =	vst v6  }
0x15f: {  	s6 =	sadd.s32 $0x10, s6;
	[tilespmem:s1+$0x0] =	vst v5  }
0x160: {  	v5 =	vld [tilespmem:s6+$0x280]  }
0x161: {  	v6 =	vld [tilespmem:s6+$0x200]  }
.Ltmp11:
0x162: {  	v7 =	vld [tilespmem:s6+$0x180];
	(pc) =	sbr.rel @p0 .LBB2_21-.Ltmp11, $4  }
0x163: {  	v8 =	vld [tilespmem:s6+$0x100]  }
0x164: {  	v9 =	vld [tilespmem:s6+$0xFFFFFD80]  }
0x165: {  	v10 =	vld [tilespmem:s6+$0xFFFFFD00]  }
0x166: {  	s8 =	sadd.s32 $0x10, s8;
	v11 =	vld [tilespmem:s6+$0xFFFFFE00]  }
0x167: {  	_ = 	snop  }
0x168: {  	v12 =	vld [tilespmem:s6+$0xFFFFFE80]  }
0x169: {  	v13 =	vld [tilespmem:s6+$0xFFFFFF00]  }
0x16a: {  	v14 =	vld [tilespmem:s6+$0xFFFFFF80]  }
0x16b: {  	v15 =	vld [tilespmem:s6+$0x0]  }
0x16c: {  	v16 =	vld [tilespmem:s6+$0x80]  }
0x16d: {  	v9 =	vld.idx.msk [tilespmem:v9+s31+$0x0], $0xffff  }
0x16e: {  	v10 =	vld.idx.msk [tilespmem:v10+s31+$0x0], $0xffff  }
0x16f: {  	v11 =	vld.idx.msk [tilespmem:v11+s31+$0x0], $0xffff  }
0x170: {  	v12 =	vld.idx.msk [tilespmem:v12+s31+$0x0], $0xffff  }
0x171: {  	v13 =	vld.idx.msk [tilespmem:v13+s31+$0x0], $0xffff  }
0x172: {  	v14 =	vld.idx.msk [tilespmem:v14+s31+$0x0], $0xffff  }
0x173: {  	v9 =	vshll.u32 v9, $0xA;
	v15 =	vld.idx.msk [tilespmem:v15+s31+$0x0], $0xffff;
	v10 =	vshll.u32 v10, $0xB  }
0x174: {  	v16 =	vld.idx.msk [tilespmem:v16+s31+$0x0], $0xffff;
	v9 =	vadd.s32 v10, v9;
	v58 =	vshll.u32 v11, $0x9  }
0x175: {  	v8 =	vld.idx.msk [tilespmem:v8+s31+$0x0], $0xffff;
	v9 =	vadd.s32 v58, v9;
	v59 =	vshll.u32 v12, $0x8  }
0x176: {  	v7 =	vld.idx.msk [tilespmem:v7+s31+$0x0], $0xffff;
	v60 =	vshll.u32 v13, $0x7;
	v9 =	vadd.s32 v59, v9  }
0x177: {  	v6 =	vld.idx.msk [tilespmem:v6+s31+$0x0], $0xffff;
	v61 =	vshll.u32 v14, $0x6;
	v9 =	vadd.s32 v60, v9  }
0x178: {  	v62 =	vshll.u32 v15, $0x5;
	v9 =	vadd.s32 v61, v9  }
0x179: {  	v5 =	vld.idx.msk [tilespmem:v5+s31+$0x0], $0xffff;
	v63 =	vshll.u32 v16, $0x4;
	v9 =	vadd.s32 v62, v9  }
0x17a: {  	v8 =	vshll.u32 v8, $0x3;
	v9 =	vadd.s32 v63, v9  }
0x17b: {  	v7 =	vshll.u32 v7, $0x2;
	v8 =	vadd.s32 v8, v9  }
0x17c: {  	v6 =	vshll.u32 v6, $0x1;
	v7 =	vadd.s32 v7, v8  }
0x17d: {  	v6 =	vadd.s32 v6, v7;
	v7 =	vmov s5  }
0x17e: {  	v5 =	vadd.s32 v5, v6;
	v6 =	vshll.u32 v7, $0x5  }
0x17f: {  	v6 =	vor.u32 v1, v6;
	v7 =	vshra.s32 v5, $0x7  }
0x180: {  	s0 =	sadd.s32 $0x10, s4;
	v6 =	vadd.s32 v6, v7  }
0x181: {  	s16 =	sadd.s32 $0x10, s1;
	v5 =	vand.u32 $0x7F, v5;
	[tilespmem:s0+$0x0] =	vst v6  }
0x182: {  	s19 =	rddreg [dreg:$0xb];
	[tilespmem:s16+$0x0] =	vst v5  }
0x183: {  	[tilespmem:s29], [sflag:$0x1] =	stream.indirect.gather [hbm4b:s19+s26], $0x80, s28, s26, $0xb8;
	[tilespmem:$0x1BC80] =	vst v63  }
0x184: {  	_ =	swait.ge [sflag:s30], $0x4000  }
0x185: {  	[sflag:s30] =	ssyncset.done $0x0  }
0x186: {  	s23 =	simm.s32 $0x17A00;
	[sflag:s30] =	ssyncadd.s32 $0xFFFFC000  }
0x187: {  	v5 =	vld [tilespmem:s23+$0x0];
	_ =	sdelay $0x1  }
0x188: {  	s24 =	simm.s32 $0x0  }
0x189: {  	v6 =	vmov s24  }
0x18a: {  	v6 =	vshll.u32 v6, $0x7  }
0x18b: {  	v6 =	vor.u32 v2, v6;
	v7 =	vand.u32 $0xFFFFFF80, v5  }
0x18c: {  	v5 =	vand.u32 $0x7F, v5;
	v6 =	vadd.s32 v6, v7  }
0x18d: {  	v5 =	vor.u32 v5, v6;
	_ =	sdelay $0x4  }
0x18e: {  	v5 =	vld.idx.msk [tilespmem:v5+s29+$0x0], $0xffff;
	_ =	sdelay $0x3  }
0x18f: {  	s1 =	simm.s32 $0x1BC00  }
0x190: {  	s0 =	simm.s32 $0x17A10;
	[tilespmem:s1+$0x0] =	vst v5  }
0x191: {  	s2 =	simm.s32 $0x10;
	s3 =	simm.s32 $0x20;
	v5 =	vld [tilespmem:s0+$0x0]  }
.LBB2_23:
0x192: {  	p0 =	sne.s32 s3, $0x70;
	_ =	sdelay $0x1  }
0x193: {  	v6 =	vmov s2;
	s2 =	smov.u32 s3  }
0x194: {  	v6 =	vshll.u32 v6, $0x7  }
0x195: {  	v6 =	vor.u32 v2, v6;
	v7 =	vand.u32 $0xFFFFFF80, v5  }
0x196: {  	v5 =	vand.u32 $0x7F, v5;
	v6 =	vadd.s32 v6, v7  }
0x197: {  	v5 =	vor.u32 v5, v6;
	_ =	sdelay $0x4  }
0x198: {  	v5 =	vld.idx.msk [tilespmem:v5+s29+$0x0], $0xffff;
	_ =	sdelay $0x2  }
.Ltmp12:
0x199: {  	(pc) =	sbr.rel @p0 .LBB2_23-.Ltmp12, $4  }
0x19a: {  	_ = 	snop  }
0x19b: {  	s1 =	sadd.s32 $0x10, s1  }
0x19c: {  	s0 =	sadd.s32 $0x10, s0;
	[tilespmem:s1+$0x0] =	vst v5  }
0x19d: {  	s3 =	sadd.s32 $0x10, s3;
	v5 =	vld [tilespmem:s0+$0x0]  }
0x19e: {  	_ =	sdelay $0x1  }
0x19f: {  	v6 =	vmov s2  }
0x1a0: {  	v6 =	vshll.u32 v6, $0x7  }
0x1a1: {  	v6 =	vor.u32 v2, v6;
	v7 =	vand.u32 $0xFFFFFF80, v5  }
0x1a2: {  	v5 =	vand.u32 $0x7F, v5;
	v6 =	vadd.s32 v6, v7  }
0x1a3: {  	v5 =	vor.u32 v5, v6;
	_ =	sdelay $0x4  }
0x1a4: {  	v5 =	vld.idx.msk [tilespmem:v5+s29+$0x0], $0xffff;
	_ =	sdelay $0x2  }
0x1a5: {  	s0 =	sadd.s32 $0x10, s1  }
0x1a6: {  	s19 =	sand.u32 $0x1F80, s22;
	s23 =	simm.s32 $0x0;
	s20 =	sadd.s32 $0x1, s20  }
0x1a7: {  	s24 =	simm.s32 $0x1BC00;
	s22 =	sadd.s32 s19, s14;
	p0 =	sne.s32 s20, $0x10;
	[tilespmem:s0+$0x0] =	vst v5  }
0x1a8: {  	[hbm4b:s22+s23] =	stream.linear.scatter [tilespmem:s24], [sflag:$0x2], $0x80, $0x38;
	[tilespmem:$0x1BC80] =	vst v63  }
.Ltmp13:
0x1a9: {  	_ = 	snop;
	(pc) =	sbr.rel @p0 .LBB2_2-.Ltmp13, $4  }
.Ltmp14:
0x1aa: {  	_ = 	snop;
	(pc) =	sbr.rel @!p0 .LBB2_25-.Ltmp14, $4  }
0x1ab: {  	_ =	swait.ge [sflag:s18], $0x80  }
0x1ac: {  	[sflag:s18] =	ssyncset.done $0x0  }
0x1ad: {  	s15 =	sadd.s32 $0x20, s15;
	s17 =	sadd.s32 $0x200, s17;
	[sflag:s18] =	ssyncadd.s32 $0xFFFFFF80  }
0x1ae: {  	_ = 	snop  }
.LBB2_3:
.Ltmp15:
0x1af: {  	(pc) =	sbr.rel .LBB2_16-.Ltmp15, $2  }
0x1b0: {  	_ =	sdelay $0x2  }
0x1b1: {  	s8 =	simm.f32 $-1.000000000e+00;
	s9 =	simm.s32 $0x0;
	s2 =	simm.s32 $0x0  }
.LBB2_5:
.Ltmp16:
0x1b2: {  	(pc) =	sbr.rel .LBB2_16-.Ltmp16, $3  }
0x1b3: {  	_ =	sdelay $0x1  }
0x1b4: {  	s8 =	simm.f32 $-1.000000000e+00  }
0x1b5: {  	s9 =	simm.s32 $0x0;
	s6 =	simm.s32 $0x0;
	s2 =	simm.s32 $0x1  }
.LBB2_7:
.Ltmp17:
0x1b6: {  	(pc) =	sbr.rel .LBB2_16-.Ltmp17, $3  }
0x1b7: {  	_ =	sdelay $0x1  }
0x1b8: {  	s8 =	simm.f32 $-1.000000000e+00;
	s9 =	simm.s32 $0x0  }
0x1b9: {  	s7 =	simm.s32 $0x0;
	s6 =	simm.s32 $0x1;
	s2 =	simm.s32 $0x2  }
.LBB2_9:
.Ltmp18:
0x1ba: {  	(pc) =	sbr.rel .LBB2_16-.Ltmp18, $3  }
0x1bb: {  	_ =	sdelay $0x1  }
0x1bc: {  	s8 =	simm.f32 $-1.000000000e+00;
	s9 =	simm.s32 $0x0  }
0x1bd: {  	v10 =	vmov v7;
	s19 =	simm.s32 $0x0;
	s7 =	simm.s32 $0x1;
	s6 =	simm.s32 $0x2  }
.LBB2_11:
.Ltmp19:
0x1be: {  	(pc) =	sbr.rel .LBB2_16-.Ltmp19, $4  }
0x1bf: {  	_ = 	snop  }
0x1c0: {  	s8 =	simm.f32 $-1.000000000e+00  }
0x1c1: {  	s9 =	simm.s32 $0x0;
	s16 =	simm.s32 $0x0;
	s19 =	simm.s32 $0x1  }
0x1c2: {  	v10 =	vmov v9;
	s7 =	simm.s32 $0x2;
	s6 =	simm.s32 $0x3;
	s2 =	simm.s32 $0x4  }
.LBB2_13:
.Ltmp20:
0x1c3: {  	(pc) =	sbr.rel .LBB2_16-.Ltmp20, $4  }
0x1c4: {  	_ = 	snop  }
0x1c5: {  	s8 =	simm.f32 $-1.000000000e+00  }
0x1c6: {  	s10 =	simm.s32 $0x0;
	s9 =	simm.s32 $0x0;
	s16 =	simm.s32 $0x1  }
0x1c7: {  	s19 =	simm.s32 $0x2;
	s7 =	simm.s32 $0x3;
	s2 =	simm.s32 $0x5  }
.LBB2_26:
0x1c8: {  	_ =	sfence.sel $0x180000  }
0x1c9: {  	[bflag:$0x0] =	sbarrier.arrive $0xFFFF  }
0x1ca: {  	_ =	strace $0x90000047  }
0x1cb: {  	s0 =	stileid.u32;
	[bflag:$0x2] =	sbarrier.arrive $0xFFFF  }
0x1cc: {  	p0 =	sne.s32 s0, $0x0;
	s0 =	rddreg [dreg:$0x3]  }
0x1cd: {  	s0 =	sadd.s32 @!p0 $0x100000, s0  }
0x1ce: {  	[sflag:s0] =	ssyncadd.tile.s32 @!p0 $0x1;
	_ =	shalt  }
.Lfunc_end2:
_tile_overlayer_lowered:
.L_overlay_start_2:
0x1cf: {  	(tag) =	ssettag $0x2  }
0x1d0: {  	s0 =	rddreg [dreg:$0x0];
	s2 =	stileid.u32  }
0x1d1: {  	s1 =	rddreg [dreg:$0x1];
	p0 =	sne.s32 s2, $0x0  }
0x1d2: {  	s3 =	rddreg [dreg:$0x2];
	[bflag:$0x3] =	sbarrier.arrive $0xFFFF;
	s2 =	simm.s32 @!p0 $0x1C02  }
0x1d3: {  	[timem:s3], [sflag:s2] =	dma.local @!p0 [hbm:s0], s1  }
0x1d4: {  	s0 =	simm.s32 @!p0 $0x2  }
0x1d5: {  	_ =	swait.ge @!p0 [sflag:s0], s1  }
0x1d6: {  	s1 =	ssub.s32 @!p0 $0x0, s1;
	[sflag:s0] =	ssyncset.done @!p0 $0x0  }
0x1d7: {  	[sflag:s0] =	ssyncadd.s32 @!p0 s1  }
0x1d8: {  	[bflag:$0x3] =	sbarrier.arrive $0xFFFF  }
0x1d9: {  	_ =	shalt  }

</sc_bundles>
